<compile_context>
chip_gen: v7x
topology: tpu7x:2x2x1
jax: 0.10.2.dev20260603
libtpu: 0.0.44.dev20260713+nightly
codegen_flags: <defaults>
</compile_context>

<pallas_src>
import functools
import math

import jax
import jax.numpy as jnp
from jax import lax
from jax.experimental import pallas as pl
from jax.experimental.pallas import tpu as pltpu
from jax.experimental.pallas import tpu_sc as plsc

D_MODEL = 128
SCALE = math.sqrt(D_MODEL)
NUM_CORES = 2
NUM_SUBCORES = 16
NUM_WORKERS = NUM_CORES * NUM_SUBCORES
LANES = 16
CHUNK = 400


def _scale_chunk(buf):
    @plsc.parallel_loop(0, CHUNK, unroll=8)
    def _scale(r):
        for c in range(D_MODEL // LANES):
            sl = pl.ds(c * LANES, LANES)
            buf[r, sl] = buf[r, sl] * SCALE


def _emb_body(
    b_per_w, seq, table_hbm, idx_hbm, out_hbm, idx_v, buf0, buf1,
    gsem0, gsem1, osem0, osem1
):
    wid = lax.axis_index("s") * NUM_CORES + lax.axis_index("c")
    base = wid * b_per_w
    pltpu.sync_copy(idx_hbm.at[pl.ds(base, b_per_w)], idx_v)

    n_chunks = b_per_w // CHUNK
    n_pairs = n_chunks // 2
    rows_per_chunk = CHUNK // seq
    bufs = (buf0, buf1)
    gsems = (gsem0, gsem1)
    osems = (osem0, osem1)

    def start_gather(g, b):
        pltpu.async_copy(
            table_hbm.at[idx_v.at[pl.ds(g * CHUNK, CHUNK)]], bufs[b], gsems[b]
        )

    def wait_gather(b):
        pltpu.make_async_copy(table_hbm.at[pl.ds(0, CHUNK)], bufs[b], gsems[b]).wait()

    def start_out(g, b):
        bbase = (base + g * CHUNK) // seq
        for i in range(rows_per_chunk):
            pltpu.async_copy(
                bufs[b].at[pl.ds(i * seq, seq)], out_hbm.at[bbase + i], osems[b]
            )

    def wait_out(b):
        pltpu.make_async_copy(
            bufs[b], out_hbm.at[pl.ds(0, rows_per_chunk)], osems[b]
        ).wait()

    start_gather(0, 0)

    @pl.loop(0, n_pairs)
    def _pair(p):
        g0 = 2 * p
        wait_gather(0)

        @pl.when(p > 0)
        def _():
            wait_out(1)

        start_gather(g0 + 1, 1)
        _scale_chunk(buf0)
        start_out(g0, 0)

        wait_gather(1)
        wait_out(0)

        @pl.when(p < n_pairs - 1)
        def _():
            start_gather(g0 + 2, 0)

        _scale_chunk(buf1)
        start_out(g0 + 1, 1)

    wait_out(1)


@jax.jit
def kernel(x, emb_weight):
    batch, seq = x.shape
    b_total = batch * seq
    b_per_w = b_total // NUM_WORKERS
    x_flat = x.reshape(b_total).astype(jnp.int32)

    mesh = plsc.VectorSubcoreMesh(core_axis_name="c", subcore_axis_name="s")
    out = pl.kernel(
        functools.partial(_emb_body, b_per_w, seq),
        out_type=jax.ShapeDtypeStruct((batch, seq, D_MODEL), jnp.float32),
        mesh=mesh,
        scratch_types=[
            pltpu.VMEM((b_per_w,), jnp.int32),
            pltpu.VMEM((CHUNK, D_MODEL), jnp.float32),
            pltpu.VMEM((CHUNK, D_MODEL), jnp.float32),
            pltpu.SemaphoreType.DMA,
            pltpu.SemaphoreType.DMA,
            pltpu.SemaphoreType.DMA,
            pltpu.SemaphoreType.DMA,
        ],
    )(emb_weight, x_flat)
    return out

# --- scband reference (transcript-rebuilt; emitter-appended) ---
"""Pipeline reference for scband-normalized-embedding-58944131170797 (READ-ONLY COPY).

The authoritative reference and input builder live on the scoring server;
editing this copy changes nothing except your own understanding.
"""

import math
import jax, jax.numpy as jnp
import numpy as np

D_MODEL = 128
VOCAB = 100000
BATCH = 4096
SEQ = 50


def setup_inputs(seed: int = 0) -> dict:
    key = jax.random.key(seed)
    k_idx, k_w = jax.random.split(key)
    x = jax.random.randint(k_idx, (BATCH, SEQ), 0, VOCAB, dtype=jnp.int64 if jax.config.read('jax_enable_x64') else jnp.int32)
    emb_weight = jax.random.normal(k_w, (VOCAB, D_MODEL), dtype=jnp.float32)
    return {"x": x, "emb_weight": emb_weight}


def reference(x, emb_weight):
    # NormalizedEmbedding.forward: self.emb(x) * sqrt(d_model)
    out = jnp.take(emb_weight, x, axis=0) * math.sqrt(D_MODEL)
    return out

if __name__ == "__main__":
    import jax
    _d = setup_inputs()
    print(jax.jit(kernel)(*tuple(_d.values())))

</pallas_src>

<mosaic_0001>
#map = affine_map<(d0, d1) -> (0, 0)>
#map1 = affine_map<(d0, d1) -> (0)>
#map2 = affine_map<(d0, d1) -> (0, 0, 0)>
module attributes {stable_mosaic.version = 14 : i64} {
  func.func @_emb_body(%arg0: i32, %arg1: i32, %arg2: memref<100000x128xf32, #tpu.memory_space<hbm>>, %arg3: memref<204800xi32, #tpu.memory_space<hbm>>, %arg4: memref<4096x50x128xf32, #tpu.memory_space<hbm>>, %arg5: memref<6400xi32, #tpu.memory_space<vmem>>, %arg6: memref<400x128xf32, #tpu.memory_space<vmem>>, %arg7: memref<400x128xf32, #tpu.memory_space<vmem>>, %arg8: memref<!tpu.dma_semaphore, #tpu.memory_space<semaphore_mem>>, %arg9: memref<!tpu.dma_semaphore, #tpu.memory_space<semaphore_mem>>, %arg10: memref<!tpu.dma_semaphore, #tpu.memory_space<semaphore_mem>>, %arg11: memref<!tpu.dma_semaphore, #tpu.memory_space<semaphore_mem>>) attributes {dimension_semantics = [#tpu.dimension_semantics<core_parallel>, #tpu.dimension_semantics<subcore_parallel>], iteration_bounds = array<i64: 2, 16>, scalar_prefetch = 0 : i64, scratch_operands = 7 : i64, tpu.core_type = #tpu.core_type<sc_vector_subcore>, window_params = [{transform_indices = #map}, {transform_indices = #map1}, {transform_indices = #map2}]} {
    %mul3A = arith.constant 2 : i32
    %mul3A_0 = arith.muli %arg1, %mul3A : i32
    %add3A = arith.addi %mul3A_0, %arg0 : i32
    %mul3A_1 = arith.constant 6400 : i32
    %mul3A_2 = arith.muli %add3A, %mul3A_1 : i32
    "tpu.region"() ({
      %run_scoped3A = tpu.sem_alloc : memref<!tpu.dma_semaphore, #tpu.memory_space<semaphore_mem>>
      %dma_start3A_18 = tpu.memref_slice %arg3[%mul3A_2] : memref<204800xi32, #tpu.memory_space<hbm>> -> memref<6400xi32, #tpu.memory_space<hbm>>
      %dma_start3A_19 = tpu.memref_slice %arg3[%mul3A_2] : memref<204800xi32, #tpu.memory_space<hbm>> -> memref<6400xi32, #tpu.memory_space<hbm>>
      tpu.enqueue_dma source(%dma_start3A_19 : memref<6400xi32, #tpu.memory_space<hbm>>) target(%arg5 : memref<6400xi32, #tpu.memory_space<vmem>>) target_semaphore(%run_scoped3A : memref<!tpu.dma_semaphore, #tpu.memory_space<semaphore_mem>>)
      %dma_wait3A_20 = tpu.memref_slice %arg3[%mul3A_2] : memref<204800xi32, #tpu.memory_space<hbm>> -> memref<6400xi32, #tpu.memory_space<hbm>>
      %dma_wait3A_21 = tpu.memref_slice %arg3[%mul3A_2] : memref<204800xi32, #tpu.memory_space<hbm>> -> memref<6400xi32, #tpu.memory_space<hbm>>
      tpu.wait_dma2 semaphore(%run_scoped3A : memref<!tpu.dma_semaphore, #tpu.memory_space<semaphore_mem>>) src(%dma_wait3A_21 : memref<6400xi32, #tpu.memory_space<hbm>>) dst(%arg5 : memref<6400xi32, #tpu.memory_space<vmem>>)
      tpu.yield
    }) : () -> ()
    %dma_start3A = arith.constant 0 : i32
    %dma_start3A_3 = tpu.memref_slice %arg5[%dma_start3A] : memref<6400xi32, #tpu.memory_space<vmem>> -> memref<400xi32, #tpu.memory_space<vmem>>
    %dma_start3A_4 = arith.constant 0 : i32
    %dma_start3A_5 = arith.constant 0 : i32
    %dma_start3A_6 = tpu.memref_slice %arg2[%dma_start3A_4, %dma_start3A_5] : memref<100000x128xf32, #tpu.memory_space<hbm>> -> memref<100000x128xf32, #tpu.memory_space<hbm>>
    tpu.enqueue_indirect_dma source(%dma_start3A_6 : memref<100000x128xf32, #tpu.memory_space<hbm>>) target(%arg6 : memref<400x128xf32, #tpu.memory_space<vmem>>) offsets(%dma_start3A_3 : memref<400xi32, #tpu.memory_space<vmem>>) semaphore(%arg8 : memref<!tpu.dma_semaphore, #tpu.memory_space<semaphore_mem>>)
    %scan3A = arith.constant 0 : i32
    %scan3A_7 = arith.constant 8 : i32
    %scan3A_8 = arith.addi %scan3A, %scan3A_7 : i32
    %scan3A_9 = arith.constant 1 : i32
    scf.for %scan3A_18 = %scan3A to %scan3A_8 step %scan3A_9  : i32 {
      %mul3A_19 = arith.constant 1 : i32
      %mul3A_20 = arith.muli %scan3A_18, %mul3A_19 : i32
      %add3A_21 = arith.constant 0 : i32
      %add3A_22 = arith.addi %add3A_21, %mul3A_20 : i32
      %mul3A_23 = arith.constant 2 : i32
      %mul3A_24 = arith.muli %mul3A_23, %add3A_22 : i32
      %dma_wait3A_25 = arith.constant 0 : i32
      %dma_wait3A_26 = arith.constant 0 : i32
      %dma_wait3A_27 = tpu.memref_slice %arg2[%dma_wait3A_25, %dma_wait3A_26] : memref<100000x128xf32, #tpu.memory_space<hbm>> -> memref<400x128xf32, #tpu.memory_space<hbm>>
      %dma_wait3A_28 = arith.constant 0 : i32
      %dma_wait3A_29 = arith.constant 0 : i32
      %dma_wait3A_30 = tpu.memref_slice %arg2[%dma_wait3A_28, %dma_wait3A_29] : memref<100000x128xf32, #tpu.memory_space<hbm>> -> memref<400x128xf32, #tpu.memory_space<hbm>>
      tpu.wait_dma2 semaphore(%arg8 : memref<!tpu.dma_semaphore, #tpu.memory_space<semaphore_mem>>) src(%dma_wait3A_30 : memref<400x128xf32, #tpu.memory_space<hbm>>) dst(%arg6 : memref<400x128xf32, #tpu.memory_space<vmem>>)
      %gt3A = arith.constant 0 : i32
      %gt3A_31 = arith.cmpi sgt, %add3A_22, %gt3A : i32
      %convert_element_type3A = arith.extui %gt3A_31 : i1 to i32
      %cond3A = arith.constant 0 : i32
      %cond3A_32 = arith.cmpi ne, %convert_element_type3A, %cond3A : i32
      scf.if %cond3A_32 {
        %dma_wait3A_368 = arith.constant 0 : i32
        %dma_wait3A_369 = arith.constant 0 : i32
        %dma_wait3A_370 = arith.constant 0 : i32
        %dma_wait3A_371 = tpu.memref_slice %arg4[%dma_wait3A_368, %dma_wait3A_369, %dma_wait3A_370] : memref<4096x50x128xf32, #tpu.memory_space<hbm>> -> memref<8x50x128xf32, #tpu.memory_space<hbm>>
        %dma_wait3A_372 = arith.constant 0 : i32
        %dma_wait3A_373 = arith.constant 0 : i32
        %dma_wait3A_374 = arith.constant 0 : i32
        %dma_wait3A_375 = tpu.memref_slice %arg4[%dma_wait3A_372, %dma_wait3A_373, %dma_wait3A_374] : memref<4096x50x128xf32, #tpu.memory_space<hbm>> -> memref<8x50x128xf32, #tpu.memory_space<hbm>>
        tpu.wait_dma2 semaphore(%arg11 : memref<!tpu.dma_semaphore, #tpu.memory_space<semaphore_mem>>) src(%arg7 : memref<400x128xf32, #tpu.memory_space<vmem>>) dst(%dma_wait3A_375 : memref<8x50x128xf32, #tpu.memory_space<hbm>>)
      } else {
      }
      %add3A_33 = arith.constant 1 : i32
      %add3A_34 = arith.addi %mul3A_24, %add3A_33 : i32
      %mul3A_35 = arith.constant 400 : i32
      %mul3A_36 = arith.muli %add3A_34, %mul3A_35 : i32
      %dma_start3A_37 = tpu.memref_slice %arg5[%mul3A_36] : memref<6400xi32, #tpu.memory_space<vmem>> -> memref<400xi32, #tpu.memory_space<vmem>>
      %dma_start3A_38 = arith.constant 0 : i32
      %dma_start3A_39 = arith.constant 0 : i32
      %dma_start3A_40 = tpu.memref_slice %arg2[%dma_start3A_38, %dma_start3A_39] : memref<100000x128xf32, #tpu.memory_space<hbm>> -> memref<100000x128xf32, #tpu.memory_space<hbm>>
      tpu.enqueue_indirect_dma source(%dma_start3A_40 : memref<100000x128xf32, #tpu.memory_space<hbm>>) target(%arg7 : memref<400x128xf32, #tpu.memory_space<vmem>>) offsets(%dma_start3A_37 : memref<400xi32, #tpu.memory_space<vmem>>) semaphore(%arg9 : memref<!tpu.dma_semaphore, #tpu.memory_space<semaphore_mem>>)
      %parallel_loop3A = arith.constant 0 : i32
      %parallel_loop3A_41 = arith.constant 400 : i32
      %parallel_loop3A_42 = arith.constant 1 : i32
      scf.for %parallel_loop3A_368 = %parallel_loop3A to %parallel_loop3A_41 step %parallel_loop3A_42  : i32 {
        %parallel_loop3A_369 = arith.index_cast %parallel_loop3A_368 : i32 to index
        %parallel_loop3A_370 = arith.constant 0 : index
        %parallel_loop3A_371 = tpu.vector_load %arg6[%parallel_loop3A_369, %parallel_loop3A_370] {strides = array<i32>} : memref<400x128xf32, #tpu.memory_space<vmem>>, vector<1x16xf32>,
        %parallel_loop3A_372 = vector.shape_cast %parallel_loop3A_371 : vector<1x16xf32> to vector<16xf32>
        %parallel_loop3A_373 = arith.constant 11.3137083 : f32
        %parallel_loop3A_374 = vector.broadcast %parallel_loop3A_373 : f32 to vector<16xf32>
        %parallel_loop3A_375 = arith.mulf %parallel_loop3A_372, %parallel_loop3A_374 : vector<16xf32>
        %parallel_loop3A_376 = arith.index_cast %parallel_loop3A_368 : i32 to index
        %parallel_loop3A_377 = arith.constant 0 : index
        %parallel_loop3A_378 = tpu.vector_load %arg6[%parallel_loop3A_376, %parallel_loop3A_377] {strides = array<i32>} : memref<400x128xf32, #tpu.memory_space<vmem>>, vector<1x16xf32>,
        %parallel_loop3A_379 = vector.shape_cast %parallel_loop3A_378 : vector<1x16xf32> to vector<16xf32>
        %parallel_loop3A_380 = vector.shape_cast %parallel_loop3A_375 : vector<16xf32> to vector<1x16xf32>
        tpu.vector_store %arg6[%parallel_loop3A_376, %parallel_loop3A_377], %parallel_loop3A_380 {strides = array<i32>} : memref<400x128xf32, #tpu.memory_space<vmem>>, vector<1x16xf32>,
        %parallel_loop3A_381 = arith.index_cast %parallel_loop3A_368 : i32 to index
        %parallel_loop3A_382 = arith.constant 16 : index
        %parallel_loop3A_383 = tpu.vector_load %arg6[%parallel_loop3A_381, %parallel_loop3A_382] {strides = array<i32>} : memref<400x128xf32, #tpu.memory_space<vmem>>, vector<1x16xf32>,
        %parallel_loop3A_384 = vector.shape_cast %parallel_loop3A_383 : vector<1x16xf32> to vector<16xf32>
        %parallel_loop3A_385 = arith.constant 11.3137083 : f32
        %parallel_loop3A_386 = vector.broadcast %parallel_loop3A_385 : f32 to vector<16xf32>
        %parallel_loop3A_387 = arith.mulf %parallel_loop3A_384, %parallel_loop3A_386 : vector<16xf32>
        %parallel_loop3A_388 = arith.index_cast %parallel_loop3A_368 : i32 to index
        %parallel_loop3A_389 = arith.constant 16 : index
        %parallel_loop3A_390 = tpu.vector_load %arg6[%parallel_loop3A_388, %parallel_loop3A_389] {strides = array<i32>} : memref<400x128xf32, #tpu.memory_space<vmem>>, vector<1x16xf32>,
        %parallel_loop3A_391 = vector.shape_cast %parallel_loop3A_390 : vector<1x16xf32> to vector<16xf32>
        %parallel_loop3A_392 = vector.shape_cast %parallel_loop3A_387 : vector<16xf32> to vector<1x16xf32>
        tpu.vector_store %arg6[%parallel_loop3A_388, %parallel_loop3A_389], %parallel_loop3A_392 {strides = array<i32>} : memref<400x128xf32, #tpu.memory_space<vmem>>, vector<1x16xf32>,
        %parallel_loop3A_393 = arith.index_cast %parallel_loop3A_368 : i32 to index
        %parallel_loop3A_394 = arith.constant 32 : index
        %parallel_loop3A_395 = tpu.vector_load %arg6[%parallel_loop3A_393, %parallel_loop3A_394] {strides = array<i32>} : memref<400x128xf32, #tpu.memory_space<vmem>>, vector<1x16xf32>,
        %parallel_loop3A_396 = vector.shape_cast %parallel_loop3A_395 : vector<1x16xf32> to vector<16xf32>
        %parallel_loop3A_397 = arith.constant 11.3137083 : f32
        %parallel_loop3A_398 = vector.broadcast %parallel_loop3A_397 : f32 to vector<16xf32>
        %parallel_loop3A_399 = arith.mulf %parallel_loop3A_396, %parallel_loop3A_398 : vector<16xf32>
        %parallel_loop3A_400 = arith.index_cast %parallel_loop3A_368 : i32 to index
        %parallel_loop3A_401 = arith.constant 32 : index
        %parallel_loop3A_402 = tpu.vector_load %arg6[%parallel_loop3A_400, %parallel_loop3A_401] {strides = array<i32>} : memref<400x128xf32, #tpu.memory_space<vmem>>, vector<1x16xf32>,
        %parallel_loop3A_403 = vector.shape_cast %parallel_loop3A_402 : vector<1x16xf32> to vector<16xf32>
        %parallel_loop3A_404 = vector.shape_cast %parallel_loop3A_399 : vector<16xf32> to vector<1x16xf32>
        tpu.vector_store %arg6[%parallel_loop3A_400, %parallel_loop3A_401], %parallel_loop3A_404 {strides = array<i32>} : memref<400x128xf32, #tpu.memory_space<vmem>>, vector<1x16xf32>,
        %parallel_loop3A_405 = arith.index_cast %parallel_loop3A_368 : i32 to index
        %parallel_loop3A_406 = arith.constant 48 : index
        %parallel_loop3A_407 = tpu.vector_load %arg6[%parallel_loop3A_405, %parallel_loop3A_406] {strides = array<i32>} : memref<400x128xf32, #tpu.memory_space<vmem>>, vector<1x16xf32>,
        %parallel_loop3A_408 = vector.shape_cast %parallel_loop3A_407 : vector<1x16xf32> to vector<16xf32>
        %parallel_loop3A_409 = arith.constant 11.3137083 : f32
        %parallel_loop3A_410 = vector.broadcast %parallel_loop3A_409 : f32 to vector<16xf32>
        %parallel_loop3A_411 = arith.mulf %parallel_loop3A_408, %parallel_loop3A_410 : vector<16xf32>
        %parallel_loop3A_412 = arith.index_cast %parallel_loop3A_368 : i32 to index
        %parallel_loop3A_413 = arith.constant 48 : index
        %parallel_loop3A_414 = tpu.vector_load %arg6[%parallel_loop3A_412, %parallel_loop3A_413] {strides = array<i32>} : memref<400x128xf32, #tpu.memory_space<vmem>>, vector<1x16xf32>,
        %parallel_loop3A_415 = vector.shape_cast %parallel_loop3A_414 : vector<1x16xf32> to vector<16xf32>
        %parallel_loop3A_416 = vector.shape_cast %parallel_loop3A_411 : vector<16xf32> to vector<1x16xf32>
        tpu.vector_store %arg6[%parallel_loop3A_412, %parallel_loop3A_413], %parallel_loop3A_416 {strides = array<i32>} : memref<400x128xf32, #tpu.memory_space<vmem>>, vector<1x16xf32>,
        %parallel_loop3A_417 = arith.index_cast %parallel_loop3A_368 : i32 to index
        %parallel_loop3A_418 = arith.constant 64 : index
        %parallel_loop3A_419 = tpu.vector_load %arg6[%parallel_loop3A_417, %parallel_loop3A_418] {strides = array<i32>} : memref<400x128xf32, #tpu.memory_space<vmem>>, vector<1x16xf32>,
        %parallel_loop3A_420 = vector.shape_cast %parallel_loop3A_419 : vector<1x16xf32> to vector<16xf32>
        %parallel_loop3A_421 = arith.constant 11.3137083 : f32
        %parallel_loop3A_422 = vector.broadcast %parallel_loop3A_421 : f32 to vector<16xf32>
        %parallel_loop3A_423 = arith.mulf %parallel_loop3A_420, %parallel_loop3A_422 : vector<16xf32>
        %parallel_loop3A_424 = arith.index_cast %parallel_loop3A_368 : i32 to index
        %parallel_loop3A_425 = arith.constant 64 : index
        %parallel_loop3A_426 = tpu.vector_load %arg6[%parallel_loop3A_424, %parallel_loop3A_425] {strides = array<i32>} : memref<400x128xf32, #tpu.memory_space<vmem>>, vector<1x16xf32>,
        %parallel_loop3A_427 = vector.shape_cast %parallel_loop3A_426 : vector<1x16xf32> to vector<16xf32>
        %parallel_loop3A_428 = vector.shape_cast %parallel_loop3A_423 : vector<16xf32> to vector<1x16xf32>
        tpu.vector_store %arg6[%parallel_loop3A_424, %parallel_loop3A_425], %parallel_loop3A_428 {strides = array<i32>} : memref<400x128xf32, #tpu.memory_space<vmem>>, vector<1x16xf32>,
        %parallel_loop3A_429 = arith.index_cast %parallel_loop3A_368 : i32 to index
        %parallel_loop3A_430 = arith.constant 80 : index
        %parallel_loop3A_431 = tpu.vector_load %arg6[%parallel_loop3A_429, %parallel_loop3A_430] {strides = array<i32>} : memref<400x128xf32, #tpu.memory_space<vmem>>, vector<1x16xf32>,
        %parallel_loop3A_432 = vector.shape_cast %parallel_loop3A_431 : vector<1x16xf32> to vector<16xf32>
        %parallel_loop3A_433 = arith.constant 11.3137083 : f32
        %parallel_loop3A_434 = vector.broadcast %parallel_loop3A_433 : f32 to vector<16xf32>
        %parallel_loop3A_435 = arith.mulf %parallel_loop3A_432, %parallel_loop3A_434 : vector<16xf32>
        %parallel_loop3A_436 = arith.index_cast %parallel_loop3A_368 : i32 to index
        %parallel_loop3A_437 = arith.constant 80 : index
        %parallel_loop3A_438 = tpu.vector_load %arg6[%parallel_loop3A_436, %parallel_loop3A_437] {strides = array<i32>} : memref<400x128xf32, #tpu.memory_space<vmem>>, vector<1x16xf32>,
        %parallel_loop3A_439 = vector.shape_cast %parallel_loop3A_438 : vector<1x16xf32> to vector<16xf32>
        %parallel_loop3A_440 = vector.shape_cast %parallel_loop3A_435 : vector<16xf32> to vector<1x16xf32>
        tpu.vector_store %arg6[%parallel_loop3A_436, %parallel_loop3A_437], %parallel_loop3A_440 {strides = array<i32>} : memref<400x128xf32, #tpu.memory_space<vmem>>, vector<1x16xf32>,
        %parallel_loop3A_441 = arith.index_cast %parallel_loop3A_368 : i32 to index
        %parallel_loop3A_442 = arith.constant 96 : index
        %parallel_loop3A_443 = tpu.vector_load %arg6[%parallel_loop3A_441, %parallel_loop3A_442] {strides = array<i32>} : memref<400x128xf32, #tpu.memory_space<vmem>>, vector<1x16xf32>,
        %parallel_loop3A_444 = vector.shape_cast %parallel_loop3A_443 : vector<1x16xf32> to vector<16xf32>
        %parallel_loop3A_445 = arith.constant 11.3137083 : f32
        %parallel_loop3A_446 = vector.broadcast %parallel_loop3A_445 : f32 to vector<16xf32>
        %parallel_loop3A_447 = arith.mulf %parallel_loop3A_444, %parallel_loop3A_446 : vector<16xf32>
        %parallel_loop3A_448 = arith.index_cast %parallel_loop3A_368 : i32 to index
        %parallel_loop3A_449 = arith.constant 96 : index
        %parallel_loop3A_450 = tpu.vector_load %arg6[%parallel_loop3A_448, %parallel_loop3A_449] {strides = array<i32>} : memref<400x128xf32, #tpu.memory_space<vmem>>, vector<1x16xf32>,
        %parallel_loop3A_451 = vector.shape_cast %parallel_loop3A_450 : vector<1x16xf32> to vector<16xf32>
        %parallel_loop3A_452 = vector.shape_cast %parallel_loop3A_447 : vector<16xf32> to vector<1x16xf32>
        tpu.vector_store %arg6[%parallel_loop3A_448, %parallel_loop3A_449], %parallel_loop3A_452 {strides = array<i32>} : memref<400x128xf32, #tpu.memory_space<vmem>>, vector<1x16xf32>,
        %parallel_loop3A_453 = arith.index_cast %parallel_loop3A_368 : i32 to index
        %parallel_loop3A_454 = arith.constant 112 : index
        %parallel_loop3A_455 = tpu.vector_load %arg6[%parallel_loop3A_453, %parallel_loop3A_454] {strides = array<i32>} : memref<400x128xf32, #tpu.memory_space<vmem>>, vector<1x16xf32>,
        %parallel_loop3A_456 = vector.shape_cast %parallel_loop3A_455 : vector<1x16xf32> to vector<16xf32>
        %parallel_loop3A_457 = arith.constant 11.3137083 : f32
        %parallel_loop3A_458 = vector.broadcast %parallel_loop3A_457 : f32 to vector<16xf32>
        %parallel_loop3A_459 = arith.mulf %parallel_loop3A_456, %parallel_loop3A_458 : vector<16xf32>
        %parallel_loop3A_460 = arith.index_cast %parallel_loop3A_368 : i32 to index
        %parallel_loop3A_461 = arith.constant 112 : index
        %parallel_loop3A_462 = tpu.vector_load %arg6[%parallel_loop3A_460, %parallel_loop3A_461] {strides = array<i32>} : memref<400x128xf32, #tpu.memory_space<vmem>>, vector<1x16xf32>,
        %parallel_loop3A_463 = vector.shape_cast %parallel_loop3A_462 : vector<1x16xf32> to vector<16xf32>
        %parallel_loop3A_464 = vector.shape_cast %parallel_loop3A_459 : vector<16xf32> to vector<1x16xf32>
        tpu.vector_store %arg6[%parallel_loop3A_460, %parallel_loop3A_461], %parallel_loop3A_464 {strides = array<i32>} : memref<400x128xf32, #tpu.memory_space<vmem>>, vector<1x16xf32>,
      } {sc.loop_unroll_factor = 8 : i64, sc.parallel_access}
      %mul3A_43 = arith.constant 400 : i32
      %mul3A_44 = arith.muli %mul3A_24, %mul3A_43 : i32
      %add3A_45 = arith.addi %mul3A_2, %mul3A_44 : i32
      %jit3A = arith.constant 50 : i32
      %div3A = arith.divsi %add3A_45, %jit3A : i32
      %sign3A = arith.constant 0 : i32
      %sign3A_46 = arith.cmpi sgt, %add3A_45, %sign3A : i32
      %sign3A_47 = arith.extui %sign3A_46 : i1 to i32
      %sign3A_48 = arith.constant 0 : i32
      %sign3A_49 = arith.cmpi slt, %add3A_45, %sign3A_48 : i32
      %sign3A_50 = arith.extui %sign3A_49 : i1 to i32
      %sign3A_51 = arith.subi %sign3A_47, %sign3A_50 : i32
      %sign3A_52 = arith.constant 0 : i32
      %sign3A_53 = arith.cmpi sgt, %jit3A, %sign3A_52 : i32
      %sign3A_54 = arith.extui %sign3A_53 : i1 to i32
      %sign3A_55 = arith.constant 0 : i32
      %sign3A_56 = arith.cmpi slt, %jit3A, %sign3A_55 : i32
      %sign3A_57 = arith.extui %sign3A_56 : i1 to i32
      %sign3A_58 = arith.subi %sign3A_54, %sign3A_57 : i32
      %ne3A = arith.cmpi ne, %sign3A_51, %sign3A_58 : i32
      %rem3A = arith.remsi %add3A_45, %jit3A : i32
      %ne3A_59 = arith.constant 0 : i32
      %ne3A_60 = arith.cmpi ne, %rem3A, %ne3A_59 : i32
      %and3A = arith.andi %ne3A, %ne3A_60 : i1
      %sub3A = arith.constant 1 : i32
      %sub3A_61 = arith.subi %div3A, %sub3A : i32
      %select_n3A = arith.select %and3A, %sub3A_61, %div3A : i32
      %add3A_62 = arith.constant 0 : i32
      %add3A_63 = arith.addi %select_n3A, %add3A_62 : i32
      %dma_start3A_64 = arith.constant 0 : i32
      %dma_start3A_65 = arith.constant 0 : i32
      %dma_start3A_66 = tpu.memref_slice %arg6[%dma_start3A_64, %dma_start3A_65] : memref<400x128xf32, #tpu.memory_space<vmem>> -> memref<50x128xf32, #tpu.memory_space<vmem>>
      %dma_start3A_67 = arith.constant 0 : i32
      %dma_start3A_68 = arith.constant 0 : i32
      %dma_start3A_69 = tpu.memref_slice %arg4[%add3A_63, %dma_start3A_67, %dma_start3A_68] : memref<4096x50x128xf32, #tpu.memory_space<hbm>> -> memref<1x50x128xf32, #tpu.memory_space<hbm>>
      %dma_start3A_70 = tpu.memref_squeeze %dma_start3A_69 : memref<1x50x128xf32, #tpu.memory_space<hbm>> -> memref<50x128xf32, #tpu.memory_space<hbm>>
      %dma_start3A_71 = arith.constant 0 : i32
      %dma_start3A_72 = arith.constant 0 : i32
      %dma_start3A_73 = tpu.memref_slice %arg4[%add3A_63, %dma_start3A_71, %dma_start3A_72] : memref<4096x50x128xf32, #tpu.memory_space<hbm>> -> memref<1x50x128xf32, #tpu.memory_space<hbm>>
      %dma_start3A_74 = tpu.memref_squeeze %dma_start3A_73 : memref<1x50x128xf32, #tpu.memory_space<hbm>> -> memref<50x128xf32, #tpu.memory_space<hbm>>
      %dma_start3A_75 = arith.constant 0 : i32
      %dma_start3A_76 = arith.constant 0 : i32
      %dma_start3A_77 = tpu.memref_slice %arg6[%dma_start3A_75, %dma_start3A_76] : memref<400x128xf32, #tpu.memory_space<vmem>> -> memref<50x128xf32, #tpu.memory_space<vmem>>
      tpu.enqueue_dma source(%dma_start3A_77 : memref<50x128xf32, #tpu.memory_space<vmem>>) target(%dma_start3A_74 : memref<50x128xf32, #tpu.memory_space<hbm>>) target_semaphore(%arg10 : memref<!tpu.dma_semaphore, #tpu.memory_space<semaphore_mem>>)
      %add3A_78 = arith.constant 1 : i32
      %add3A_79 = arith.addi %select_n3A, %add3A_78 : i32
      %dma_start3A_80 = arith.constant 50 : i32
      %dma_start3A_81 = arith.constant 0 : i32
      %dma_start3A_82 = tpu.memref_slice %arg6[%dma_start3A_80, %dma_start3A_81] : memref<400x128xf32, #tpu.memory_space<vmem>> -> memref<50x128xf32, #tpu.memory_space<vmem>>
      %dma_start3A_83 = arith.constant 0 : i32
      %dma_start3A_84 = arith.constant 0 : i32
      %dma_start3A_85 = tpu.memref_slice %arg4[%add3A_79, %dma_start3A_83, %dma_start3A_84] : memref<4096x50x128xf32, #tpu.memory_space<hbm>> -> memref<1x50x128xf32, #tpu.memory_space<hbm>>
      %dma_start3A_86 = tpu.memref_squeeze %dma_start3A_85 : memref<1x50x128xf32, #tpu.memory_space<hbm>> -> memref<50x128xf32, #tpu.memory_space<hbm>>
      %dma_start3A_87 = arith.constant 0 : i32
      %dma_start3A_88 = arith.constant 0 : i32
      %dma_start3A_89 = tpu.memref_slice %arg4[%add3A_79, %dma_start3A_87, %dma_start3A_88] : memref<4096x50x128xf32, #tpu.memory_space<hbm>> -> memref<1x50x128xf32, #tpu.memory_space<hbm>>
      %dma_start3A_90 = tpu.memref_squeeze %dma_start3A_89 : memref<1x50x128xf32, #tpu.memory_space<hbm>> -> memref<50x128xf32, #tpu.memory_space<hbm>>
      %dma_start3A_91 = arith.constant 50 : i32
      %dma_start3A_92 = arith.constant 0 : i32
      %dma_start3A_93 = tpu.memref_slice %arg6[%dma_start3A_91, %dma_start3A_92] : memref<400x128xf32, #tpu.memory_space<vmem>> -> memref<50x128xf32, #tpu.memory_space<vmem>>
      tpu.enqueue_dma source(%dma_start3A_93 : memref<50x128xf32, #tpu.memory_space<vmem>>) target(%dma_start3A_90 : memref<50x128xf32, #tpu.memory_space<hbm>>) target_semaphore(%arg10 : memref<!tpu.dma_semaphore, #tpu.memory_space<semaphore_mem>>)
      %add3A_94 = arith.constant 2 : i32
      %add3A_95 = arith.addi %select_n3A, %add3A_94 : i32
      %dma_start3A_96 = arith.constant 100 : i32
      %dma_start3A_97 = arith.constant 0 : i32
      %dma_start3A_98 = tpu.memref_slice %arg6[%dma_start3A_96, %dma_start3A_97] : memref<400x128xf32, #tpu.memory_space<vmem>> -> memref<50x128xf32, #tpu.memory_space<vmem>>
      %dma_start3A_99 = arith.constant 0 : i32
      %dma_start3A_100 = arith.constant 0 : i32
      %dma_start3A_101 = tpu.memref_slice %arg4[%add3A_95, %dma_start3A_99, %dma_start3A_100] : memref<4096x50x128xf32, #tpu.memory_space<hbm>> -> memref<1x50x128xf32, #tpu.memory_space<hbm>>
      %dma_start3A_102 = tpu.memref_squeeze %dma_start3A_101 : memref<1x50x128xf32, #tpu.memory_space<hbm>> -> memref<50x128xf32, #tpu.memory_space<hbm>>
      %dma_start3A_103 = arith.constant 0 : i32
      %dma_start3A_104 = arith.constant 0 : i32
      %dma_start3A_105 = tpu.memref_slice %arg4[%add3A_95, %dma_start3A_103, %dma_start3A_104] : memref<4096x50x128xf32, #tpu.memory_space<hbm>> -> memref<1x50x128xf32, #tpu.memory_space<hbm>>
      %dma_start3A_106 = tpu.memref_squeeze %dma_start3A_105 : memref<1x50x128xf32, #tpu.memory_space<hbm>> -> memref<50x128xf32, #tpu.memory_space<hbm>>
      %dma_start3A_107 = arith.constant 100 : i32
      %dma_start3A_108 = arith.constant 0 : i32
      %dma_start3A_109 = tpu.memref_slice %arg6[%dma_start3A_107, %dma_start3A_108] : memref<400x128xf32, #tpu.memory_space<vmem>> -> memref<50x128xf32, #tpu.memory_space<vmem>>
      tpu.enqueue_dma source(%dma_start3A_109 : memref<50x128xf32, #tpu.memory_space<vmem>>) target(%dma_start3A_106 : memref<50x128xf32, #tpu.memory_space<hbm>>) target_semaphore(%arg10 : memref<!tpu.dma_semaphore, #tpu.memory_space<semaphore_mem>>)
      %add3A_110 = arith.constant 3 : i32
      %add3A_111 = arith.addi %select_n3A, %add3A_110 : i32
      %dma_start3A_112 = arith.constant 150 : i32
      %dma_start3A_113 = arith.constant 0 : i32
      %dma_start3A_114 = tpu.memref_slice %arg6[%dma_start3A_112, %dma_start3A_113] : memref<400x128xf32, #tpu.memory_space<vmem>> -> memref<50x128xf32, #tpu.memory_space<vmem>>
      %dma_start3A_115 = arith.constant 0 : i32
      %dma_start3A_116 = arith.constant 0 : i32
      %dma_start3A_117 = tpu.memref_slice %arg4[%add3A_111, %dma_start3A_115, %dma_start3A_116] : memref<4096x50x128xf32, #tpu.memory_space<hbm>> -> memref<1x50x128xf32, #tpu.memory_space<hbm>>
      %dma_start3A_118 = tpu.memref_squeeze %dma_start3A_117 : memref<1x50x128xf32, #tpu.memory_space<hbm>> -> memref<50x128xf32, #tpu.memory_space<hbm>>
      %dma_start3A_119 = arith.constant 0 : i32
      %dma_start3A_120 = arith.constant 0 : i32
      %dma_start3A_121 = tpu.memref_slice %arg4[%add3A_111, %dma_start3A_119, %dma_start3A_120] : memref<4096x50x128xf32, #tpu.memory_space<hbm>> -> memref<1x50x128xf32, #tpu.memory_space<hbm>>
      %dma_start3A_122 = tpu.memref_squeeze %dma_start3A_121 : memref<1x50x128xf32, #tpu.memory_space<hbm>> -> memref<50x128xf32, #tpu.memory_space<hbm>>
      %dma_start3A_123 = arith.constant 150 : i32
      %dma_start3A_124 = arith.constant 0 : i32
      %dma_start3A_125 = tpu.memref_slice %arg6[%dma_start3A_123, %dma_start3A_124] : memref<400x128xf32, #tpu.memory_space<vmem>> -> memref<50x128xf32, #tpu.memory_space<vmem>>
      tpu.enqueue_dma source(%dma_start3A_125 : memref<50x128xf32, #tpu.memory_space<vmem>>) target(%dma_start3A_122 : memref<50x128xf32, #tpu.memory_space<hbm>>) target_semaphore(%arg10 : memref<!tpu.dma_semaphore, #tpu.memory_space<semaphore_mem>>)
      %add3A_126 = arith.constant 4 : i32
      %add3A_127 = arith.addi %select_n3A, %add3A_126 : i32
      %dma_start3A_128 = arith.constant 200 : i32
      %dma_start3A_129 = arith.constant 0 : i32
      %dma_start3A_130 = tpu.memref_slice %arg6[%dma_start3A_128, %dma_start3A_129] : memref<400x128xf32, #tpu.memory_space<vmem>> -> memref<50x128xf32, #tpu.memory_space<vmem>>
      %dma_start3A_131 = arith.constant 0 : i32
      %dma_start3A_132 = arith.constant 0 : i32
      %dma_start3A_133 = tpu.memref_slice %arg4[%add3A_127, %dma_start3A_131, %dma_start3A_132] : memref<4096x50x128xf32, #tpu.memory_space<hbm>> -> memref<1x50x128xf32, #tpu.memory_space<hbm>>
      %dma_start3A_134 = tpu.memref_squeeze %dma_start3A_133 : memref<1x50x128xf32, #tpu.memory_space<hbm>> -> memref<50x128xf32, #tpu.memory_space<hbm>>
      %dma_start3A_135 = arith.constant 0 : i32
      %dma_start3A_136 = arith.constant 0 : i32
      %dma_start3A_137 = tpu.memref_slice %arg4[%add3A_127, %dma_start3A_135, %dma_start3A_136] : memref<4096x50x128xf32, #tpu.memory_space<hbm>> -> memref<1x50x128xf32, #tpu.memory_space<hbm>>
      %dma_start3A_138 = tpu.memref_squeeze %dma_start3A_137 : memref<1x50x128xf32, #tpu.memory_space<hbm>> -> memref<50x128xf32, #tpu.memory_space<hbm>>
      %dma_start3A_139 = arith.constant 200 : i32
      %dma_start3A_140 = arith.constant 0 : i32
      %dma_start3A_141 = tpu.memref_slice %arg6[%dma_start3A_139, %dma_start3A_140] : memref<400x128xf32, #tpu.memory_space<vmem>> -> memref<50x128xf32, #tpu.memory_space<vmem>>
      tpu.enqueue_dma source(%dma_start3A_141 : memref<50x128xf32, #tpu.memory_space<vmem>>) target(%dma_start3A_138 : memref<50x128xf32, #tpu.memory_space<hbm>>) target_semaphore(%arg10 : memref<!tpu.dma_semaphore, #tpu.memory_space<semaphore_mem>>)
      %add3A_142 = arith.constant 5 : i32
      %add3A_143 = arith.addi %select_n3A, %add3A_142 : i32
      %dma_start3A_144 = arith.constant 250 : i32
      %dma_start3A_145 = arith.constant 0 : i32
      %dma_start3A_146 = tpu.memref_slice %arg6[%dma_start3A_144, %dma_start3A_145] : memref<400x128xf32, #tpu.memory_space<vmem>> -> memref<50x128xf32, #tpu.memory_space<vmem>>
      %dma_start3A_147 = arith.constant 0 : i32
      %dma_start3A_148 = arith.constant 0 : i32
      %dma_start3A_149 = tpu.memref_slice %arg4[%add3A_143, %dma_start3A_147, %dma_start3A_148] : memref<4096x50x128xf32, #tpu.memory_space<hbm>> -> memref<1x50x128xf32, #tpu.memory_space<hbm>>
      %dma_start3A_150 = tpu.memref_squeeze %dma_start3A_149 : memref<1x50x128xf32, #tpu.memory_space<hbm>> -> memref<50x128xf32, #tpu.memory_space<hbm>>
      %dma_start3A_151 = arith.constant 0 : i32
      %dma_start3A_152 = arith.constant 0 : i32
      %dma_start3A_153 = tpu.memref_slice %arg4[%add3A_143, %dma_start3A_151, %dma_start3A_152] : memref<4096x50x128xf32, #tpu.memory_space<hbm>> -> memref<1x50x128xf32, #tpu.memory_space<hbm>>
      %dma_start3A_154 = tpu.memref_squeeze %dma_start3A_153 : memref<1x50x128xf32, #tpu.memory_space<hbm>> -> memref<50x128xf32, #tpu.memory_space<hbm>>
      %dma_start3A_155 = arith.constant 250 : i32
      %dma_start3A_156 = arith.constant 0 : i32
      %dma_start3A_157 = tpu.memref_slice %arg6[%dma_start3A_155, %dma_start3A_156] : memref<400x128xf32, #tpu.memory_space<vmem>> -> memref<50x128xf32, #tpu.memory_space<vmem>>
      tpu.enqueue_dma source(%dma_start3A_157 : memref<50x128xf32, #tpu.memory_space<vmem>>) target(%dma_start3A_154 : memref<50x128xf32, #tpu.memory_space<hbm>>) target_semaphore(%arg10 : memref<!tpu.dma_semaphore, #tpu.memory_space<semaphore_mem>>)
      %add3A_158 = arith.constant 6 : i32
      %add3A_159 = arith.addi %select_n3A, %add3A_158 : i32
      %dma_start3A_160 = arith.constant 300 : i32
      %dma_start3A_161 = arith.constant 0 : i32
      %dma_start3A_162 = tpu.memref_slice %arg6[%dma_start3A_160, %dma_start3A_161] : memref<400x128xf32, #tpu.memory_space<vmem>> -> memref<50x128xf32, #tpu.memory_space<vmem>>
      %dma_start3A_163 = arith.constant 0 : i32
      %dma_start3A_164 = arith.constant 0 : i32
      %dma_start3A_165 = tpu.memref_slice %arg4[%add3A_159, %dma_start3A_163, %dma_start3A_164] : memref<4096x50x128xf32, #tpu.memory_space<hbm>> -> memref<1x50x128xf32, #tpu.memory_space<hbm>>
      %dma_start3A_166 = tpu.memref_squeeze %dma_start3A_165 : memref<1x50x128xf32, #tpu.memory_space<hbm>> -> memref<50x128xf32, #tpu.memory_space<hbm>>
      %dma_start3A_167 = arith.constant 0 : i32
      %dma_start3A_168 = arith.constant 0 : i32
      %dma_start3A_169 = tpu.memref_slice %arg4[%add3A_159, %dma_start3A_167, %dma_start3A_168] : memref<4096x50x128xf32, #tpu.memory_space<hbm>> -> memref<1x50x128xf32, #tpu.memory_space<hbm>>
      %dma_start3A_170 = tpu.memref_squeeze %dma_start3A_169 : memref<1x50x128xf32, #tpu.memory_space<hbm>> -> memref<50x128xf32, #tpu.memory_space<hbm>>
      %dma_start3A_171 = arith.constant 300 : i32
      %dma_start3A_172 = arith.constant 0 : i32
      %dma_start3A_173 = tpu.memref_slice %arg6[%dma_start3A_171, %dma_start3A_172] : memref<400x128xf32, #tpu.memory_space<vmem>> -> memref<50x128xf32, #tpu.memory_space<vmem>>
      tpu.enqueue_dma source(%dma_start3A_173 : memref<50x128xf32, #tpu.memory_space<vmem>>) target(%dma_start3A_170 : memref<50x128xf32, #tpu.memory_space<hbm>>) target_semaphore(%arg10 : memref<!tpu.dma_semaphore, #tpu.memory_space<semaphore_mem>>)
      %add3A_174 = arith.constant 7 : i32
      %add3A_175 = arith.addi %select_n3A, %add3A_174 : i32
      %dma_start3A_176 = arith.constant 350 : i32
      %dma_start3A_177 = arith.constant 0 : i32
      %dma_start3A_178 = tpu.memref_slice %arg6[%dma_start3A_176, %dma_start3A_177] : memref<400x128xf32, #tpu.memory_space<vmem>> -> memref<50x128xf32, #tpu.memory_space<vmem>>
      %dma_start3A_179 = arith.constant 0 : i32
      %dma_start3A_180 = arith.constant 0 : i32
      %dma_start3A_181 = tpu.memref_slice %arg4[%add3A_175, %dma_start3A_179, %dma_start3A_180] : memref<4096x50x128xf32, #tpu.memory_space<hbm>> -> memref<1x50x128xf32, #tpu.memory_space<hbm>>
      %dma_start3A_182 = tpu.memref_squeeze %dma_start3A_181 : memref<1x50x128xf32, #tpu.memory_space<hbm>> -> memref<50x128xf32, #tpu.memory_space<hbm>>
      %dma_start3A_183 = arith.constant 0 : i32
      %dma_start3A_184 = arith.constant 0 : i32
      %dma_start3A_185 = tpu.memref_slice %arg4[%add3A_175, %dma_start3A_183, %dma_start3A_184] : memref<4096x50x128xf32, #tpu.memory_space<hbm>> -> memref<1x50x128xf32, #tpu.memory_space<hbm>>
      %dma_start3A_186 = tpu.memref_squeeze %dma_start3A_185 : memref<1x50x128xf32, #tpu.memory_space<hbm>> -> memref<50x128xf32, #tpu.memory_space<hbm>>
      %dma_start3A_187 = arith.constant 350 : i32
      %dma_start3A_188 = arith.constant 0 : i32
      %dma_start3A_189 = tpu.memref_slice %arg6[%dma_start3A_187, %dma_start3A_188] : memref<400x128xf32, #tpu.memory_space<vmem>> -> memref<50x128xf32, #tpu.memory_space<vmem>>
      tpu.enqueue_dma source(%dma_start3A_189 : memref<50x128xf32, #tpu.memory_space<vmem>>) target(%dma_start3A_186 : memref<50x128xf32, #tpu.memory_space<hbm>>) target_semaphore(%arg10 : memref<!tpu.dma_semaphore, #tpu.memory_space<semaphore_mem>>)
      %dma_wait3A_190 = arith.constant 0 : i32
      %dma_wait3A_191 = arith.constant 0 : i32
      %dma_wait3A_192 = tpu.memref_slice %arg2[%dma_wait3A_190, %dma_wait3A_191] : memref<100000x128xf32, #tpu.memory_space<hbm>> -> memref<400x128xf32, #tpu.memory_space<hbm>>
      %dma_wait3A_193 = arith.constant 0 : i32
      %dma_wait3A_194 = arith.constant 0 : i32
      %dma_wait3A_195 = tpu.memref_slice %arg2[%dma_wait3A_193, %dma_wait3A_194] : memref<100000x128xf32, #tpu.memory_space<hbm>> -> memref<400x128xf32, #tpu.memory_space<hbm>>
      tpu.wait_dma2 semaphore(%arg9 : memref<!tpu.dma_semaphore, #tpu.memory_space<semaphore_mem>>) src(%dma_wait3A_195 : memref<400x128xf32, #tpu.memory_space<hbm>>) dst(%arg7 : memref<400x128xf32, #tpu.memory_space<vmem>>)
      %dma_wait3A_196 = arith.constant 0 : i32
      %dma_wait3A_197 = arith.constant 0 : i32
      %dma_wait3A_198 = arith.constant 0 : i32
      %dma_wait3A_199 = tpu.memref_slice %arg4[%dma_wait3A_196, %dma_wait3A_197, %dma_wait3A_198] : memref<4096x50x128xf32, #tpu.memory_space<hbm>> -> memref<8x50x128xf32, #tpu.memory_space<hbm>>
      %dma_wait3A_200 = arith.constant 0 : i32
      %dma_wait3A_201 = arith.constant 0 : i32
      %dma_wait3A_202 = arith.constant 0 : i32
      %dma_wait3A_203 = tpu.memref_slice %arg4[%dma_wait3A_200, %dma_wait3A_201, %dma_wait3A_202] : memref<4096x50x128xf32, #tpu.memory_space<hbm>> -> memref<8x50x128xf32, #tpu.memory_space<hbm>>
      tpu.wait_dma2 semaphore(%arg10 : memref<!tpu.dma_semaphore, #tpu.memory_space<semaphore_mem>>) src(%arg6 : memref<400x128xf32, #tpu.memory_space<vmem>>) dst(%dma_wait3A_203 : memref<8x50x128xf32, #tpu.memory_space<hbm>>)
      %lt3A = arith.constant 7 : i32
      %lt3A_204 = arith.cmpi slt, %add3A_22, %lt3A : i32
      %convert_element_type3A_205 = arith.extui %lt3A_204 : i1 to i32
      %cond3A_206 = arith.constant 0 : i32
      %cond3A_207 = arith.cmpi ne, %convert_element_type3A_205, %cond3A_206 : i32
      scf.if %cond3A_207 {
        %add3A_368 = arith.constant 2 : i32
        %add3A_369 = arith.addi %mul3A_24, %add3A_368 : i32
        %mul3A_370 = arith.constant 400 : i32
        %mul3A_371 = arith.muli %add3A_369, %mul3A_370 : i32
        %dma_start3A_372 = tpu.memref_slice %arg5[%mul3A_371] : memref<6400xi32, #tpu.memory_space<vmem>> -> memref<400xi32, #tpu.memory_space<vmem>>
        %dma_start3A_373 = arith.constant 0 : i32
        %dma_start3A_374 = arith.constant 0 : i32
        %dma_start3A_375 = tpu.memref_slice %arg2[%dma_start3A_373, %dma_start3A_374] : memref<100000x128xf32, #tpu.memory_space<hbm>> -> memref<100000x128xf32, #tpu.memory_space<hbm>>
        tpu.enqueue_indirect_dma source(%dma_start3A_375 : memref<100000x128xf32, #tpu.memory_space<hbm>>) target(%arg6 : memref<400x128xf32, #tpu.memory_space<vmem>>) offsets(%dma_start3A_372 : memref<400xi32, #tpu.memory_space<vmem>>) semaphore(%arg8 : memref<!tpu.dma_semaphore, #tpu.memory_space<semaphore_mem>>)
      } else {
      }
      %parallel_loop3A_208 = arith.constant 0 : i32
      %parallel_loop3A_209 = arith.constant 400 : i32
      %parallel_loop3A_210 = arith.constant 1 : i32
      scf.for %parallel_loop3A_368 = %parallel_loop3A_208 to %parallel_loop3A_209 step %parallel_loop3A_210  : i32 {
        %parallel_loop3A_369 = arith.index_cast %parallel_loop3A_368 : i32 to index
        %parallel_loop3A_370 = arith.constant 0 : index
        %parallel_loop3A_371 = tpu.vector_load %arg7[%parallel_loop3A_369, %parallel_loop3A_370] {strides = array<i32>} : memref<400x128xf32, #tpu.memory_space<vmem>>, vector<1x16xf32>,
        %parallel_loop3A_372 = vector.shape_cast %parallel_loop3A_371 : vector<1x16xf32> to vector<16xf32>
        %parallel_loop3A_373 = arith.constant 11.3137083 : f32
        %parallel_loop3A_374 = vector.broadcast %parallel_loop3A_373 : f32 to vector<16xf32>
        %parallel_loop3A_375 = arith.mulf %parallel_loop3A_372, %parallel_loop3A_374 : vector<16xf32>
        %parallel_loop3A_376 = arith.index_cast %parallel_loop3A_368 : i32 to index
        %parallel_loop3A_377 = arith.constant 0 : index
        %parallel_loop3A_378 = tpu.vector_load %arg7[%parallel_loop3A_376, %parallel_loop3A_377] {strides = array<i32>} : memref<400x128xf32, #tpu.memory_space<vmem>>, vector<1x16xf32>,
        %parallel_loop3A_379 = vector.shape_cast %parallel_loop3A_378 : vector<1x16xf32> to vector<16xf32>
        %parallel_loop3A_380 = vector.shape_cast %parallel_loop3A_375 : vector<16xf32> to vector<1x16xf32>
        tpu.vector_store %arg7[%parallel_loop3A_376, %parallel_loop3A_377], %parallel_loop3A_380 {strides = array<i32>} : memref<400x128xf32, #tpu.memory_space<vmem>>, vector<1x16xf32>,
        %parallel_loop3A_381 = arith.index_cast %parallel_loop3A_368 : i32 to index
        %parallel_loop3A_382 = arith.constant 16 : index
        %parallel_loop3A_383 = tpu.vector_load %arg7[%parallel_loop3A_381, %parallel_loop3A_382] {strides = array<i32>} : memref<400x128xf32, #tpu.memory_space<vmem>>, vector<1x16xf32>,
        %parallel_loop3A_384 = vector.shape_cast %parallel_loop3A_383 : vector<1x16xf32> to vector<16xf32>
        %parallel_loop3A_385 = arith.constant 11.3137083 : f32
        %parallel_loop3A_386 = vector.broadcast %parallel_loop3A_385 : f32 to vector<16xf32>
        %parallel_loop3A_387 = arith.mulf %parallel_loop3A_384, %parallel_loop3A_386 : vector<16xf32>
        %parallel_loop3A_388 = arith.index_cast %parallel_loop3A_368 : i32 to index
        %parallel_loop3A_389 = arith.constant 16 : index
        %parallel_loop3A_390 = tpu.vector_load %arg7[%parallel_loop3A_388, %parallel_loop3A_389] {strides = array<i32>} : memref<400x128xf32, #tpu.memory_space<vmem>>, vector<1x16xf32>,
        %parallel_loop3A_391 = vector.shape_cast %parallel_loop3A_390 : vector<1x16xf32> to vector<16xf32>
        %parallel_loop3A_392 = vector.shape_cast %parallel_loop3A_387 : vector<16xf32> to vector<1x16xf32>
        tpu.vector_store %arg7[%parallel_loop3A_388, %parallel_loop3A_389], %parallel_loop3A_392 {strides = array<i32>} : memref<400x128xf32, #tpu.memory_space<vmem>>, vector<1x16xf32>,
        %parallel_loop3A_393 = arith.index_cast %parallel_loop3A_368 : i32 to index
        %parallel_loop3A_394 = arith.constant 32 : index
        %parallel_loop3A_395 = tpu.vector_load %arg7[%parallel_loop3A_393, %parallel_loop3A_394] {strides = array<i32>} : memref<400x128xf32, #tpu.memory_space<vmem>>, vector<1x16xf32>,
        %parallel_loop3A_396 = vector.shape_cast %parallel_loop3A_395 : vector<1x16xf32> to vector<16xf32>
        %parallel_loop3A_397 = arith.constant 11.3137083 : f32
        %parallel_loop3A_398 = vector.broadcast %parallel_loop3A_397 : f32 to vector<16xf32>
        %parallel_loop3A_399 = arith.mulf %parallel_loop3A_396, %parallel_loop3A_398 : vector<16xf32>
        %parallel_loop3A_400 = arith.index_cast %parallel_loop3A_368 : i32 to index
        %parallel_loop3A_401 = arith.constant 32 : index
        %parallel_loop3A_402 = tpu.vector_load %arg7[%parallel_loop3A_400, %parallel_loop3A_401] {strides = array<i32>} : memref<400x128xf32, #tpu.memory_space<vmem>>, vector<1x16xf32>,
        %parallel_loop3A_403 = vector.shape_cast %parallel_loop3A_402 : vector<1x16xf32> to vector<16xf32>
        %parallel_loop3A_404 = vector.shape_cast %parallel_loop3A_399 : vector<16xf32> to vector<1x16xf32>
        tpu.vector_store %arg7[%parallel_loop3A_400, %parallel_loop3A_401], %parallel_loop3A_404 {strides = array<i32>} : memref<400x128xf32, #tpu.memory_space<vmem>>, vector<1x16xf32>,
        %parallel_loop3A_405 = arith.index_cast %parallel_loop3A_368 : i32 to index
        %parallel_loop3A_406 = arith.constant 48 : index
        %parallel_loop3A_407 = tpu.vector_load %arg7[%parallel_loop3A_405, %parallel_loop3A_406] {strides = array<i32>} : memref<400x128xf32, #tpu.memory_space<vmem>>, vector<1x16xf32>,
        %parallel_loop3A_408 = vector.shape_cast %parallel_loop3A_407 : vector<1x16xf32> to vector<16xf32>
        %parallel_loop3A_409 = arith.constant 11.3137083 : f32
        %parallel_loop3A_410 = vector.broadcast %parallel_loop3A_409 : f32 to vector<16xf32>
        %parallel_loop3A_411 = arith.mulf %parallel_loop3A_408, %parallel_loop3A_410 : vector<16xf32>
        %parallel_loop3A_412 = arith.index_cast %parallel_loop3A_368 : i32 to index
        %parallel_loop3A_413 = arith.constant 48 : index
        %parallel_loop3A_414 = tpu.vector_load %arg7[%parallel_loop3A_412, %parallel_loop3A_413] {strides = array<i32>} : memref<400x128xf32, #tpu.memory_space<vmem>>, vector<1x16xf32>,
        %parallel_loop3A_415 = vector.shape_cast %parallel_loop3A_414 : vector<1x16xf32> to vector<16xf32>
        %parallel_loop3A_416 = vector.shape_cast %parallel_loop3A_411 : vector<16xf32> to vector<1x16xf32>
        tpu.vector_store %arg7[%parallel_loop3A_412, %parallel_loop3A_413], %parallel_loop3A_416 {strides = array<i32>} : memref<400x128xf32, #tpu.memory_space<vmem>>, vector<1x16xf32>,
        %parallel_loop3A_417 = arith.index_cast %parallel_loop3A_368 : i32 to index
        %parallel_loop3A_418 = arith.constant 64 : index
        %parallel_loop3A_419 = tpu.vector_load %arg7[%parallel_loop3A_417, %parallel_loop3A_418] {strides = array<i32>} : memref<400x128xf32, #tpu.memory_space<vmem>>, vector<1x16xf32>,
        %parallel_loop3A_420 = vector.shape_cast %parallel_loop3A_419 : vector<1x16xf32> to vector<16xf32>
        %parallel_loop3A_421 = arith.constant 11.3137083 : f32
        %parallel_loop3A_422 = vector.broadcast %parallel_loop3A_421 : f32 to vector<16xf32>
        %parallel_loop3A_423 = arith.mulf %parallel_loop3A_420, %parallel_loop3A_422 : vector<16xf32>
        %parallel_loop3A_424 = arith.index_cast %parallel_loop3A_368 : i32 to index
        %parallel_loop3A_425 = arith.constant 64 : index
        %parallel_loop3A_426 = tpu.vector_load %arg7[%parallel_loop3A_424, %parallel_loop3A_425] {strides = array<i32>} : memref<400x128xf32, #tpu.memory_space<vmem>>, vector<1x16xf32>,
        %parallel_loop3A_427 = vector.shape_cast %parallel_loop3A_426 : vector<1x16xf32> to vector<16xf32>
        %parallel_loop3A_428 = vector.shape_cast %parallel_loop3A_423 : vector<16xf32> to vector<1x16xf32>
        tpu.vector_store %arg7[%parallel_loop3A_424, %parallel_loop3A_425], %parallel_loop3A_428 {strides = array<i32>} : memref<400x128xf32, #tpu.memory_space<vmem>>, vector<1x16xf32>,
        %parallel_loop3A_429 = arith.index_cast %parallel_loop3A_368 : i32 to index
        %parallel_loop3A_430 = arith.constant 80 : index
        %parallel_loop3A_431 = tpu.vector_load %arg7[%parallel_loop3A_429, %parallel_loop3A_430] {strides = array<i32>} : memref<400x128xf32, #tpu.memory_space<vmem>>, vector<1x16xf32>,
        %parallel_loop3A_432 = vector.shape_cast %parallel_loop3A_431 : vector<1x16xf32> to vector<16xf32>
        %parallel_loop3A_433 = arith.constant 11.3137083 : f32
        %parallel_loop3A_434 = vector.broadcast %parallel_loop3A_433 : f32 to vector<16xf32>
        %parallel_loop3A_435 = arith.mulf %parallel_loop3A_432, %parallel_loop3A_434 : vector<16xf32>
        %parallel_loop3A_436 = arith.index_cast %parallel_loop3A_368 : i32 to index
        %parallel_loop3A_437 = arith.constant 80 : index
        %parallel_loop3A_438 = tpu.vector_load %arg7[%parallel_loop3A_436, %parallel_loop3A_437] {strides = array<i32>} : memref<400x128xf32, #tpu.memory_space<vmem>>, vector<1x16xf32>,
        %parallel_loop3A_439 = vector.shape_cast %parallel_loop3A_438 : vector<1x16xf32> to vector<16xf32>
        %parallel_loop3A_440 = vector.shape_cast %parallel_loop3A_435 : vector<16xf32> to vector<1x16xf32>
        tpu.vector_store %arg7[%parallel_loop3A_436, %parallel_loop3A_437], %parallel_loop3A_440 {strides = array<i32>} : memref<400x128xf32, #tpu.memory_space<vmem>>, vector<1x16xf32>,
        %parallel_loop3A_441 = arith.index_cast %parallel_loop3A_368 : i32 to index
        %parallel_loop3A_442 = arith.constant 96 : index
        %parallel_loop3A_443 = tpu.vector_load %arg7[%parallel_loop3A_441, %parallel_loop3A_442] {strides = array<i32>} : memref<400x128xf32, #tpu.memory_space<vmem>>, vector<1x16xf32>,
        %parallel_loop3A_444 = vector.shape_cast %parallel_loop3A_443 : vector<1x16xf32> to vector<16xf32>
        %parallel_loop3A_445 = arith.constant 11.3137083 : f32
        %parallel_loop3A_446 = vector.broadcast %parallel_loop3A_445 : f32 to vector<16xf32>
        %parallel_loop3A_447 = arith.mulf %parallel_loop3A_444, %parallel_loop3A_446 : vector<16xf32>
        %parallel_loop3A_448 = arith.index_cast %parallel_loop3A_368 : i32 to index
        %parallel_loop3A_449 = arith.constant 96 : index
        %parallel_loop3A_450 = tpu.vector_load %arg7[%parallel_loop3A_448, %parallel_loop3A_449] {strides = array<i32>} : memref<400x128xf32, #tpu.memory_space<vmem>>, vector<1x16xf32>,
        %parallel_loop3A_451 = vector.shape_cast %parallel_loop3A_450 : vector<1x16xf32> to vector<16xf32>
        %parallel_loop3A_452 = vector.shape_cast %parallel_loop3A_447 : vector<16xf32> to vector<1x16xf32>
        tpu.vector_store %arg7[%parallel_loop3A_448, %parallel_loop3A_449], %parallel_loop3A_452 {strides = array<i32>} : memref<400x128xf32, #tpu.memory_space<vmem>>, vector<1x16xf32>,
        %parallel_loop3A_453 = arith.index_cast %parallel_loop3A_368 : i32 to index
        %parallel_loop3A_454 = arith.constant 112 : index
        %parallel_loop3A_455 = tpu.vector_load %arg7[%parallel_loop3A_453, %parallel_loop3A_454] {strides = array<i32>} : memref<400x128xf32, #tpu.memory_space<vmem>>, vector<1x16xf32>,
        %parallel_loop3A_456 = vector.shape_cast %parallel_loop3A_455 : vector<1x16xf32> to vector<16xf32>
        %parallel_loop3A_457 = arith.constant 11.3137083 : f32
        %parallel_loop3A_458 = vector.broadcast %parallel_loop3A_457 : f32 to vector<16xf32>
        %parallel_loop3A_459 = arith.mulf %parallel_loop3A_456, %parallel_loop3A_458 : vector<16xf32>
        %parallel_loop3A_460 = arith.index_cast %parallel_loop3A_368 : i32 to index
        %parallel_loop3A_461 = arith.constant 112 : index
        %parallel_loop3A_462 = tpu.vector_load %arg7[%parallel_loop3A_460, %parallel_loop3A_461] {strides = array<i32>} : memref<400x128xf32, #tpu.memory_space<vmem>>, vector<1x16xf32>,
        %parallel_loop3A_463 = vector.shape_cast %parallel_loop3A_462 : vector<1x16xf32> to vector<16xf32>
        %parallel_loop3A_464 = vector.shape_cast %parallel_loop3A_459 : vector<16xf32> to vector<1x16xf32>
        tpu.vector_store %arg7[%parallel_loop3A_460, %parallel_loop3A_461], %parallel_loop3A_464 {strides = array<i32>} : memref<400x128xf32, #tpu.memory_space<vmem>>, vector<1x16xf32>,
      } {sc.loop_unroll_factor = 8 : i64, sc.parallel_access}
      %add3A_211 = arith.constant 1 : i32
      %add3A_212 = arith.addi %mul3A_24, %add3A_211 : i32
      %mul3A_213 = arith.constant 400 : i32
      %mul3A_214 = arith.muli %add3A_212, %mul3A_213 : i32
      %add3A_215 = arith.addi %mul3A_2, %mul3A_214 : i32
      %jit3A_216 = arith.constant 50 : i32
      %div3A_217 = arith.divsi %add3A_215, %jit3A_216 : i32
      %sign3A_218 = arith.constant 0 : i32
      %sign3A_219 = arith.cmpi sgt, %add3A_215, %sign3A_218 : i32
      %sign3A_220 = arith.extui %sign3A_219 : i1 to i32
      %sign3A_221 = arith.constant 0 : i32
      %sign3A_222 = arith.cmpi slt, %add3A_215, %sign3A_221 : i32
      %sign3A_223 = arith.extui %sign3A_222 : i1 to i32
      %sign3A_224 = arith.subi %sign3A_220, %sign3A_223 : i32
      %sign3A_225 = arith.constant 0 : i32
      %sign3A_226 = arith.cmpi sgt, %jit3A_216, %sign3A_225 : i32
      %sign3A_227 = arith.extui %sign3A_226 : i1 to i32
      %sign3A_228 = arith.constant 0 : i32
      %sign3A_229 = arith.cmpi slt, %jit3A_216, %sign3A_228 : i32
      %sign3A_230 = arith.extui %sign3A_229 : i1 to i32
      %sign3A_231 = arith.subi %sign3A_227, %sign3A_230 : i32
      %ne3A_232 = arith.cmpi ne, %sign3A_224, %sign3A_231 : i32
      %rem3A_233 = arith.remsi %add3A_215, %jit3A_216 : i32
      %ne3A_234 = arith.constant 0 : i32
      %ne3A_235 = arith.cmpi ne, %rem3A_233, %ne3A_234 : i32
      %and3A_236 = arith.andi %ne3A_232, %ne3A_235 : i1
      %sub3A_237 = arith.constant 1 : i32
      %sub3A_238 = arith.subi %div3A_217, %sub3A_237 : i32
      %select_n3A_239 = arith.select %and3A_236, %sub3A_238, %div3A_217 : i32
      %add3A_240 = arith.constant 0 : i32
      %add3A_241 = arith.addi %select_n3A_239, %add3A_240 : i32
      %dma_start3A_242 = arith.constant 0 : i32
      %dma_start3A_243 = arith.constant 0 : i32
      %dma_start3A_244 = tpu.memref_slice %arg7[%dma_start3A_242, %dma_start3A_243] : memref<400x128xf32, #tpu.memory_space<vmem>> -> memref<50x128xf32, #tpu.memory_space<vmem>>
      %dma_start3A_245 = arith.constant 0 : i32
      %dma_start3A_246 = arith.constant 0 : i32
      %dma_start3A_247 = tpu.memref_slice %arg4[%add3A_241, %dma_start3A_245, %dma_start3A_246] : memref<4096x50x128xf32, #tpu.memory_space<hbm>> -> memref<1x50x128xf32, #tpu.memory_space<hbm>>
      %dma_start3A_248 = tpu.memref_squeeze %dma_start3A_247 : memref<1x50x128xf32, #tpu.memory_space<hbm>> -> memref<50x128xf32, #tpu.memory_space<hbm>>
      %dma_start3A_249 = arith.constant 0 : i32
      %dma_start3A_250 = arith.constant 0 : i32
      %dma_start3A_251 = tpu.memref_slice %arg4[%add3A_241, %dma_start3A_249, %dma_start3A_250] : memref<4096x50x128xf32, #tpu.memory_space<hbm>> -> memref<1x50x128xf32, #tpu.memory_space<hbm>>
      %dma_start3A_252 = tpu.memref_squeeze %dma_start3A_251 : memref<1x50x128xf32, #tpu.memory_space<hbm>> -> memref<50x128xf32, #tpu.memory_space<hbm>>
      %dma_start3A_253 = arith.constant 0 : i32
      %dma_start3A_254 = arith.constant 0 : i32
      %dma_start3A_255 = tpu.memref_slice %arg7[%dma_start3A_253, %dma_start3A_254] : memref<400x128xf32, #tpu.memory_space<vmem>> -> memref<50x128xf32, #tpu.memory_space<vmem>>
      tpu.enqueue_dma source(%dma_start3A_255 : memref<50x128xf32, #tpu.memory_space<vmem>>) target(%dma_start3A_252 : memref<50x128xf32, #tpu.memory_space<hbm>>) target_semaphore(%arg11 : memref<!tpu.dma_semaphore, #tpu.memory_space<semaphore_mem>>)
      %add3A_256 = arith.constant 1 : i32
      %add3A_257 = arith.addi %select_n3A_239, %add3A_256 : i32
      %dma_start3A_258 = arith.constant 50 : i32
      %dma_start3A_259 = arith.constant 0 : i32
      %dma_start3A_260 = tpu.memref_slice %arg7[%dma_start3A_258, %dma_start3A_259] : memref<400x128xf32, #tpu.memory_space<vmem>> -> memref<50x128xf32, #tpu.memory_space<vmem>>
      %dma_start3A_261 = arith.constant 0 : i32
      %dma_start3A_262 = arith.constant 0 : i32
      %dma_start3A_263 = tpu.memref_slice %arg4[%add3A_257, %dma_start3A_261, %dma_start3A_262] : memref<4096x50x128xf32, #tpu.memory_space<hbm>> -> memref<1x50x128xf32, #tpu.memory_space<hbm>>
      %dma_start3A_264 = tpu.memref_squeeze %dma_start3A_263 : memref<1x50x128xf32, #tpu.memory_space<hbm>> -> memref<50x128xf32, #tpu.memory_space<hbm>>
      %dma_start3A_265 = arith.constant 0 : i32
      %dma_start3A_266 = arith.constant 0 : i32
      %dma_start3A_267 = tpu.memref_slice %arg4[%add3A_257, %dma_start3A_265, %dma_start3A_266] : memref<4096x50x128xf32, #tpu.memory_space<hbm>> -> memref<1x50x128xf32, #tpu.memory_space<hbm>>
      %dma_start3A_268 = tpu.memref_squeeze %dma_start3A_267 : memref<1x50x128xf32, #tpu.memory_space<hbm>> -> memref<50x128xf32, #tpu.memory_space<hbm>>
      %dma_start3A_269 = arith.constant 50 : i32
      %dma_start3A_270 = arith.constant 0 : i32
      %dma_start3A_271 = tpu.memref_slice %arg7[%dma_start3A_269, %dma_start3A_270] : memref<400x128xf32, #tpu.memory_space<vmem>> -> memref<50x128xf32, #tpu.memory_space<vmem>>
      tpu.enqueue_dma source(%dma_start3A_271 : memref<50x128xf32, #tpu.memory_space<vmem>>) target(%dma_start3A_268 : memref<50x128xf32, #tpu.memory_space<hbm>>) target_semaphore(%arg11 : memref<!tpu.dma_semaphore, #tpu.memory_space<semaphore_mem>>)
      %add3A_272 = arith.constant 2 : i32
      %add3A_273 = arith.addi %select_n3A_239, %add3A_272 : i32
      %dma_start3A_274 = arith.constant 100 : i32
      %dma_start3A_275 = arith.constant 0 : i32
      %dma_start3A_276 = tpu.memref_slice %arg7[%dma_start3A_274, %dma_start3A_275] : memref<400x128xf32, #tpu.memory_space<vmem>> -> memref<50x128xf32, #tpu.memory_space<vmem>>
      %dma_start3A_277 = arith.constant 0 : i32
      %dma_start3A_278 = arith.constant 0 : i32
      %dma_start3A_279 = tpu.memref_slice %arg4[%add3A_273, %dma_start3A_277, %dma_start3A_278] : memref<4096x50x128xf32, #tpu.memory_space<hbm>> -> memref<1x50x128xf32, #tpu.memory_space<hbm>>
      %dma_start3A_280 = tpu.memref_squeeze %dma_start3A_279 : memref<1x50x128xf32, #tpu.memory_space<hbm>> -> memref<50x128xf32, #tpu.memory_space<hbm>>
      %dma_start3A_281 = arith.constant 0 : i32
      %dma_start3A_282 = arith.constant 0 : i32
      %dma_start3A_283 = tpu.memref_slice %arg4[%add3A_273, %dma_start3A_281, %dma_start3A_282] : memref<4096x50x128xf32, #tpu.memory_space<hbm>> -> memref<1x50x128xf32, #tpu.memory_space<hbm>>
      %dma_start3A_284 = tpu.memref_squeeze %dma_start3A_283 : memref<1x50x128xf32, #tpu.memory_space<hbm>> -> memref<50x128xf32, #tpu.memory_space<hbm>>
      %dma_start3A_285 = arith.constant 100 : i32
      %dma_start3A_286 = arith.constant 0 : i32
      %dma_start3A_287 = tpu.memref_slice %arg7[%dma_start3A_285, %dma_start3A_286] : memref<400x128xf32, #tpu.memory_space<vmem>> -> memref<50x128xf32, #tpu.memory_space<vmem>>
      tpu.enqueue_dma source(%dma_start3A_287 : memref<50x128xf32, #tpu.memory_space<vmem>>) target(%dma_start3A_284 : memref<50x128xf32, #tpu.memory_space<hbm>>) target_semaphore(%arg11 : memref<!tpu.dma_semaphore, #tpu.memory_space<semaphore_mem>>)
      %add3A_288 = arith.constant 3 : i32
      %add3A_289 = arith.addi %select_n3A_239, %add3A_288 : i32
      %dma_start3A_290 = arith.constant 150 : i32
      %dma_start3A_291 = arith.constant 0 : i32
      %dma_start3A_292 = tpu.memref_slice %arg7[%dma_start3A_290, %dma_start3A_291] : memref<400x128xf32, #tpu.memory_space<vmem>> -> memref<50x128xf32, #tpu.memory_space<vmem>>
      %dma_start3A_293 = arith.constant 0 : i32
      %dma_start3A_294 = arith.constant 0 : i32
      %dma_start3A_295 = tpu.memref_slice %arg4[%add3A_289, %dma_start3A_293, %dma_start3A_294] : memref<4096x50x128xf32, #tpu.memory_space<hbm>> -> memref<1x50x128xf32, #tpu.memory_space<hbm>>
      %dma_start3A_296 = tpu.memref_squeeze %dma_start3A_295 : memref<1x50x128xf32, #tpu.memory_space<hbm>> -> memref<50x128xf32, #tpu.memory_space<hbm>>
      %dma_start3A_297 = arith.constant 0 : i32
      %dma_start3A_298 = arith.constant 0 : i32
      %dma_start3A_299 = tpu.memref_slice %arg4[%add3A_289, %dma_start3A_297, %dma_start3A_298] : memref<4096x50x128xf32, #tpu.memory_space<hbm>> -> memref<1x50x128xf32, #tpu.memory_space<hbm>>
      %dma_start3A_300 = tpu.memref_squeeze %dma_start3A_299 : memref<1x50x128xf32, #tpu.memory_space<hbm>> -> memref<50x128xf32, #tpu.memory_space<hbm>>
      %dma_start3A_301 = arith.constant 150 : i32
      %dma_start3A_302 = arith.constant 0 : i32
      %dma_start3A_303 = tpu.memref_slice %arg7[%dma_start3A_301, %dma_start3A_302] : memref<400x128xf32, #tpu.memory_space<vmem>> -> memref<50x128xf32, #tpu.memory_space<vmem>>
      tpu.enqueue_dma source(%dma_start3A_303 : memref<50x128xf32, #tpu.memory_space<vmem>>) target(%dma_start3A_300 : memref<50x128xf32, #tpu.memory_space<hbm>>) target_semaphore(%arg11 : memref<!tpu.dma_semaphore, #tpu.memory_space<semaphore_mem>>)
      %add3A_304 = arith.constant 4 : i32
      %add3A_305 = arith.addi %select_n3A_239, %add3A_304 : i32
      %dma_start3A_306 = arith.constant 200 : i32
      %dma_start3A_307 = arith.constant 0 : i32
      %dma_start3A_308 = tpu.memref_slice %arg7[%dma_start3A_306, %dma_start3A_307] : memref<400x128xf32, #tpu.memory_space<vmem>> -> memref<50x128xf32, #tpu.memory_space<vmem>>
      %dma_start3A_309 = arith.constant 0 : i32
      %dma_start3A_310 = arith.constant 0 : i32
      %dma_start3A_311 = tpu.memref_slice %arg4[%add3A_305, %dma_start3A_309, %dma_start3A_310] : memref<4096x50x128xf32, #tpu.memory_space<hbm>> -> memref<1x50x128xf32, #tpu.memory_space<hbm>>
      %dma_start3A_312 = tpu.memref_squeeze %dma_start3A_311 : memref<1x50x128xf32, #tpu.memory_space<hbm>> -> memref<50x128xf32, #tpu.memory_space<hbm>>
      %dma_start3A_313 = arith.constant 0 : i32
      %dma_start3A_314 = arith.constant 0 : i32
      %dma_start3A_315 = tpu.memref_slice %arg4[%add3A_305, %dma_start3A_313, %dma_start3A_314] : memref<4096x50x128xf32, #tpu.memory_space<hbm>> -> memref<1x50x128xf32, #tpu.memory_space<hbm>>
      %dma_start3A_316 = tpu.memref_squeeze %dma_start3A_315 : memref<1x50x128xf32, #tpu.memory_space<hbm>> -> memref<50x128xf32, #tpu.memory_space<hbm>>
      %dma_start3A_317 = arith.constant 200 : i32
      %dma_start3A_318 = arith.constant 0 : i32
      %dma_start3A_319 = tpu.memref_slice %arg7[%dma_start3A_317, %dma_start3A_318] : memref<400x128xf32, #tpu.memory_space<vmem>> -> memref<50x128xf32, #tpu.memory_space<vmem>>
      tpu.enqueue_dma source(%dma_start3A_319 : memref<50x128xf32, #tpu.memory_space<vmem>>) target(%dma_start3A_316 : memref<50x128xf32, #tpu.memory_space<hbm>>) target_semaphore(%arg11 : memref<!tpu.dma_semaphore, #tpu.memory_space<semaphore_mem>>)
      %add3A_320 = arith.constant 5 : i32
      %add3A_321 = arith.addi %select_n3A_239, %add3A_320 : i32
      %dma_start3A_322 = arith.constant 250 : i32
      %dma_start3A_323 = arith.constant 0 : i32
      %dma_start3A_324 = tpu.memref_slice %arg7[%dma_start3A_322, %dma_start3A_323] : memref<400x128xf32, #tpu.memory_space<vmem>> -> memref<50x128xf32, #tpu.memory_space<vmem>>
      %dma_start3A_325 = arith.constant 0 : i32
      %dma_start3A_326 = arith.constant 0 : i32
      %dma_start3A_327 = tpu.memref_slice %arg4[%add3A_321, %dma_start3A_325, %dma_start3A_326] : memref<4096x50x128xf32, #tpu.memory_space<hbm>> -> memref<1x50x128xf32, #tpu.memory_space<hbm>>
      %dma_start3A_328 = tpu.memref_squeeze %dma_start3A_327 : memref<1x50x128xf32, #tpu.memory_space<hbm>> -> memref<50x128xf32, #tpu.memory_space<hbm>>
      %dma_start3A_329 = arith.constant 0 : i32
      %dma_start3A_330 = arith.constant 0 : i32
      %dma_start3A_331 = tpu.memref_slice %arg4[%add3A_321, %dma_start3A_329, %dma_start3A_330] : memref<4096x50x128xf32, #tpu.memory_space<hbm>> -> memref<1x50x128xf32, #tpu.memory_space<hbm>>
      %dma_start3A_332 = tpu.memref_squeeze %dma_start3A_331 : memref<1x50x128xf32, #tpu.memory_space<hbm>> -> memref<50x128xf32, #tpu.memory_space<hbm>>
      %dma_start3A_333 = arith.constant 250 : i32
      %dma_start3A_334 = arith.constant 0 : i32
      %dma_start3A_335 = tpu.memref_slice %arg7[%dma_start3A_333, %dma_start3A_334] : memref<400x128xf32, #tpu.memory_space<vmem>> -> memref<50x128xf32, #tpu.memory_space<vmem>>
      tpu.enqueue_dma source(%dma_start3A_335 : memref<50x128xf32, #tpu.memory_space<vmem>>) target(%dma_start3A_332 : memref<50x128xf32, #tpu.memory_space<hbm>>) target_semaphore(%arg11 : memref<!tpu.dma_semaphore, #tpu.memory_space<semaphore_mem>>)
      %add3A_336 = arith.constant 6 : i32
      %add3A_337 = arith.addi %select_n3A_239, %add3A_336 : i32
      %dma_start3A_338 = arith.constant 300 : i32
      %dma_start3A_339 = arith.constant 0 : i32
      %dma_start3A_340 = tpu.memref_slice %arg7[%dma_start3A_338, %dma_start3A_339] : memref<400x128xf32, #tpu.memory_space<vmem>> -> memref<50x128xf32, #tpu.memory_space<vmem>>
      %dma_start3A_341 = arith.constant 0 : i32
      %dma_start3A_342 = arith.constant 0 : i32
      %dma_start3A_343 = tpu.memref_slice %arg4[%add3A_337, %dma_start3A_341, %dma_start3A_342] : memref<4096x50x128xf32, #tpu.memory_space<hbm>> -> memref<1x50x128xf32, #tpu.memory_space<hbm>>
      %dma_start3A_344 = tpu.memref_squeeze %dma_start3A_343 : memref<1x50x128xf32, #tpu.memory_space<hbm>> -> memref<50x128xf32, #tpu.memory_space<hbm>>
      %dma_start3A_345 = arith.constant 0 : i32
      %dma_start3A_346 = arith.constant 0 : i32
      %dma_start3A_347 = tpu.memref_slice %arg4[%add3A_337, %dma_start3A_345, %dma_start3A_346] : memref<4096x50x128xf32, #tpu.memory_space<hbm>> -> memref<1x50x128xf32, #tpu.memory_space<hbm>>
      %dma_start3A_348 = tpu.memref_squeeze %dma_start3A_347 : memref<1x50x128xf32, #tpu.memory_space<hbm>> -> memref<50x128xf32, #tpu.memory_space<hbm>>
      %dma_start3A_349 = arith.constant 300 : i32
      %dma_start3A_350 = arith.constant 0 : i32
      %dma_start3A_351 = tpu.memref_slice %arg7[%dma_start3A_349, %dma_start3A_350] : memref<400x128xf32, #tpu.memory_space<vmem>> -> memref<50x128xf32, #tpu.memory_space<vmem>>
      tpu.enqueue_dma source(%dma_start3A_351 : memref<50x128xf32, #tpu.memory_space<vmem>>) target(%dma_start3A_348 : memref<50x128xf32, #tpu.memory_space<hbm>>) target_semaphore(%arg11 : memref<!tpu.dma_semaphore, #tpu.memory_space<semaphore_mem>>)
      %add3A_352 = arith.constant 7 : i32
      %add3A_353 = arith.addi %select_n3A_239, %add3A_352 : i32
      %dma_start3A_354 = arith.constant 350 : i32
      %dma_start3A_355 = arith.constant 0 : i32
      %dma_start3A_356 = tpu.memref_slice %arg7[%dma_start3A_354, %dma_start3A_355] : memref<400x128xf32, #tpu.memory_space<vmem>> -> memref<50x128xf32, #tpu.memory_space<vmem>>
      %dma_start3A_357 = arith.constant 0 : i32
      %dma_start3A_358 = arith.constant 0 : i32
      %dma_start3A_359 = tpu.memref_slice %arg4[%add3A_353, %dma_start3A_357, %dma_start3A_358] : memref<4096x50x128xf32, #tpu.memory_space<hbm>> -> memref<1x50x128xf32, #tpu.memory_space<hbm>>
      %dma_start3A_360 = tpu.memref_squeeze %dma_start3A_359 : memref<1x50x128xf32, #tpu.memory_space<hbm>> -> memref<50x128xf32, #tpu.memory_space<hbm>>
      %dma_start3A_361 = arith.constant 0 : i32
      %dma_start3A_362 = arith.constant 0 : i32
      %dma_start3A_363 = tpu.memref_slice %arg4[%add3A_353, %dma_start3A_361, %dma_start3A_362] : memref<4096x50x128xf32, #tpu.memory_space<hbm>> -> memref<1x50x128xf32, #tpu.memory_space<hbm>>
      %dma_start3A_364 = tpu.memref_squeeze %dma_start3A_363 : memref<1x50x128xf32, #tpu.memory_space<hbm>> -> memref<50x128xf32, #tpu.memory_space<hbm>>
      %dma_start3A_365 = arith.constant 350 : i32
      %dma_start3A_366 = arith.constant 0 : i32
      %dma_start3A_367 = tpu.memref_slice %arg7[%dma_start3A_365, %dma_start3A_366] : memref<400x128xf32, #tpu.memory_space<vmem>> -> memref<50x128xf32, #tpu.memory_space<vmem>>
      tpu.enqueue_dma source(%dma_start3A_367 : memref<50x128xf32, #tpu.memory_space<vmem>>) target(%dma_start3A_364 : memref<50x128xf32, #tpu.memory_space<hbm>>) target_semaphore(%arg11 : memref<!tpu.dma_semaphore, #tpu.memory_space<semaphore_mem>>)
    }
    %scan3A_10 = arith.constant 8 : i32
    %dma_wait3A = arith.constant 0 : i32
    %dma_wait3A_11 = arith.constant 0 : i32
    %dma_wait3A_12 = arith.constant 0 : i32
    %dma_wait3A_13 = tpu.memref_slice %arg4[%dma_wait3A, %dma_wait3A_11, %dma_wait3A_12] : memref<4096x50x128xf32, #tpu.memory_space<hbm>> -> memref<8x50x128xf32, #tpu.memory_space<hbm>>
    %dma_wait3A_14 = arith.constant 0 : i32
    %dma_wait3A_15 = arith.constant 0 : i32
    %dma_wait3A_16 = arith.constant 0 : i32
    %dma_wait3A_17 = tpu.memref_slice %arg4[%dma_wait3A_14, %dma_wait3A_15, %dma_wait3A_16] : memref<4096x50x128xf32, #tpu.memory_space<hbm>> -> memref<8x50x128xf32, #tpu.memory_space<hbm>>
    tpu.wait_dma2 semaphore(%arg11 : memref<!tpu.dma_semaphore, #tpu.memory_space<semaphore_mem>>) src(%arg7 : memref<400x128xf32, #tpu.memory_space<vmem>>) dst(%dma_wait3A_17 : memref<8x50x128xf32, #tpu.memory_space<hbm>>)
    return
  }
}

</mosaic_0001>

<sc_bundles>
// kernel: kernel.3.cloned.1.call-start
scs
__scs_entry_jumppad:
0x0: {  	(pc) =	sbr.rel $0x88, $3  }
0x1: {  	(tag) =	ssettag $0x0;
	lr =	simm.s32 $0x1  }
0x2: {  	[smem:$0x3F9F] =	sst lr;
	_ =	strace $0xD0000000  }
0x3: {  	_ = 	snop  }
0x4: {  	_ = 	snop  }
0x5: {  	_ = 	snop  }
0x6: {  	_ = 	snop  }
0x7: {  	_ = 	snop  }
__scs_overlays_trampoline_lowered:
0x8: {  	[smem:$0x3FAE] =	sst s0  }
0x9: {  	[smem:$0x3FAF] =	sst s1  }
0xa: {  	[smem:$0x3FB0] =	sst s2  }
0xb: {  	[smem:$0x3FB1] =	sst s3  }
0xc: {  	[smem:$0x3FB2] =	sst s4  }
0xd: {  	[smem:$0x3FB3] =	sst s5  }
0xe: {  	[smem:$0x3FB4] =	sst s6  }
0xf: {  	[smem:$0x3FB5] =	sst s7  }
0x10: {  	[smem:$0x3FB6] =	sst s8  }
0x11: {  	[smem:$0x3FB7] =	sst s9;
	s0 =	simm.s32 @!p0 $0x0  }
0x12: {  	s1 =	sld [smem:$0x3F9D];
	s0 =	simm.s32 @p0 $0x1  }
0x13: {  	[smem:$0x3FB8] =	sst s0;
	s0 =	simm.s32 @!p1 $0x0  }
0x14: {  	s2 =	sld [smem:$0x3F9C];
	s0 =	simm.s32 @p1 $0x1  }
0x15: {  	[smem:$0x3FB9] =	sst s0;
	s0 =	simm.s32 @!p2 $0x0  }
0x16: {  	s3 =	sld [smem:$0x3FDB];
	s0 =	simm.s32 @p2 $0x1  }
0x17: {  	s4 =	simm.s32 $0x1BF5;
	[smem:$0x3FBB] =	sst s0  }
0x18: {  	s0 =	sld [smem:$0x3F9E];
	_ =	swait.ge [sflag:s4], $0x0  }
0x19: {  	s7 =	sld [smem:$0x3F9F]  }
0x1a: {  	s8 =	sadd.s32 $0xFFFFE003, lr  }
0x1b: {  	s9 =	sadd.s32 $0xFFFFFEF7, lr;
	s5 =	simm.s32 $0xFFFFFFFF;
	p2 =	slt.u32 s8, $0xFFFFF086  }
0x1c: {  	p1 =	slt.u32 s9, $0xF7A;
	s5 =	simm.s32 @!p2 $0x0  }
0x1d: {  	s5 =	simm.s32 @p1 $0x1;
	p0 =	seq.s32 s7, s2  }
0x1e: {  	s7 =	smul.u32 @!p0 $0xF7A, s2;
	p2 =	seq.s32 @!p0 s5, $0x0  }
0x1f: {  	s9 =	smul.u32 $0xF7A, s1;
	s8 =	simm.s32 @!p0 $0x1BF5;
	p2 =	por !p2, p0  }
0x20: {  	[sflag:s8] =	ssyncset.s32 @!p0 $0xFFFFF086;
	s6 =	sadd.s32 @!p0 s3, s7;
	s7 =	simm.s32 @!p0 $0x108  }
0x21: {  	s3 =	sadd.s32 s3, s9;
	s6 =	sadd.s32 @!p0 $0x88, s6;
	s7 =	simm.s32 @p2 $0x1082  }
0x22: {  	[simem:s7], [sflag:s8] =	dma.local @!p0 [hbm:s6], $0xF7A  }
0x23: {  	s9 =	sor.u32 $0xD0000000, s2;
	s6 =	simm.s32 $0x108;
	_ =	swait.ge @!p0 [sflag:s8], $0x0  }
0x24: {  	s3 =	sadd.s32 $0x88, s3;
	s6 =	simm.s32 @!p1 $0x1082;
	[sflag:s4] =	ssyncset.s32 $0xFFFFF086  }
0x25: {  	[simem:s6], [sflag:s4] =	dma.local [hbm:s3], $0xF7A  }
0x26: {  	[smem:$0x3F9F] =	sst s1;
	(tag) =	ssettag s2;
	_ =	strace s9  }
0x27: {  	s1 =	sld [smem:$0x3FAF]  }
0x28: {  	s2 =	sld [smem:$0x3FB0]  }
0x29: {  	s4 =	sld [smem:$0x3FB2]  }
0x2a: {  	p0 =	seq.s32 s5, $0x0;
	s5 =	sld [smem:$0x3FB3]  }
0x2b: {  	s6 =	sld [smem:$0x3FB4]  }
0x2c: {  	s7 =	sld [smem:$0x3FB5]  }
0x2d: {  	s3 =	simm.s32 $0x108;
	s8 =	sld [smem:$0x3FB6]  }
0x2e: {  	s3 =	simm.s32 @!p0 $0x1082;
	s9 =	sld [smem:$0x3FB7]  }
0x2f: {  	lr =	sadd.s32 s0, s3;
	s0 =	sld [smem:$0x3FAE]  }
0x30: {  	s3 =	sld [smem:$0x3FB1]  }
0x31: {  	[smem:$0x3FBA] =	sst s10  }
0x32: {  	s10 =	sld [smem:$0x3FB8];
	_ =	sdelay $0x3  }
0x33: {  	p0 =	seq.s32 s10, $0x1;
	s10 =	sld [smem:$0x3FBA];
	_ =	sdelay $0x3  }
0x34: {  	[smem:$0x3FBA] =	sst s10  }
0x35: {  	s10 =	sld [smem:$0x3FB9];
	_ =	sdelay $0x3  }
0x36: {  	p1 =	seq.s32 s10, $0x1;
	s10 =	sld [smem:$0x3FBA];
	_ =	sdelay $0x3  }
0x37: {  	[smem:$0x3FBA] =	sst s10  }
0x38: {  	s10 =	sld [smem:$0x3FBB]  }
0x39: {  	_ = 	snop;
	(pc) =	sbr.ind lr, $3  }
0x3a: {  	_ = 	snop  }
0x3b: {  	_ = 	snop  }
0x3c: {  	p2 =	seq.s32 s10, $0x1;
	s10 =	sld [smem:$0x3FBA]  }
0x3d: {  	_ =	shalt  }
0x3e: {  	_ =	shalt  }
0x3f: {  	_ =	shalt  }
0x40: {  	_ =	shalt  }
0x41: {  	_ =	shalt  }
0x42: {  	_ =	shalt  }
0x43: {  	_ =	shalt  }
0x44: {  	_ =	shalt  }
0x45: {  	_ =	shalt  }
0x46: {  	_ =	shalt  }
0x47: {  	_ =	shalt  }
0x48: {  	_ =	shalt  }
0x49: {  	_ =	shalt  }
0x4a: {  	_ =	shalt  }
0x4b: {  	_ =	shalt  }
0x4c: {  	_ =	shalt  }
0x4d: {  	_ =	shalt  }
0x4e: {  	_ =	shalt  }
0x4f: {  	_ =	shalt  }
0x50: {  	_ =	shalt  }
0x51: {  	_ =	shalt  }
0x52: {  	_ =	shalt  }
0x53: {  	_ =	shalt  }
0x54: {  	_ =	shalt  }
0x55: {  	_ =	shalt  }
0x56: {  	_ =	shalt  }
0x57: {  	_ =	shalt  }
0x58: {  	_ =	shalt  }
0x59: {  	_ =	shalt  }
0x5a: {  	_ =	shalt  }
0x5b: {  	_ =	shalt  }
0x5c: {  	_ =	shalt  }
0x5d: {  	_ =	shalt  }
0x5e: {  	_ =	shalt  }
0x5f: {  	_ =	shalt  }
0x60: {  	_ =	shalt  }
0x61: {  	_ =	shalt  }
0x62: {  	_ =	shalt  }
0x63: {  	_ =	shalt  }
0x64: {  	_ =	shalt  }
0x65: {  	_ =	shalt  }
0x66: {  	_ =	shalt  }
0x67: {  	_ =	shalt  }
0x68: {  	_ =	shalt  }
0x69: {  	_ =	shalt  }
0x6a: {  	_ =	shalt  }
0x6b: {  	_ =	shalt  }
0x6c: {  	_ =	shalt  }
0x6d: {  	_ =	shalt  }
0x6e: {  	_ =	shalt  }
0x6f: {  	_ =	shalt  }
0x70: {  	_ =	shalt  }
0x71: {  	_ =	shalt  }
0x72: {  	_ =	shalt  }
0x73: {  	_ =	shalt  }
0x74: {  	_ =	shalt  }
0x75: {  	_ =	shalt  }
0x76: {  	_ =	shalt  }
0x77: {  	_ =	shalt  }
0x78: {  	_ =	shalt  }
0x79: {  	_ =	shalt  }
0x7a: {  	_ =	shalt  }
0x7b: {  	_ =	shalt  }
0x7c: {  	_ =	shalt  }
0x7d: {  	_ =	shalt  }
0x7e: {  	_ =	shalt  }
0x7f: {  	_ =	shalt  }
0x80: {  	_ =	shalt  }
0x81: {  	_ =	shalt  }
0x82: {  	_ =	shalt  }
0x83: {  	_ =	shalt  }
0x84: {  	_ =	shalt  }
0x85: {  	_ =	shalt  }
0x86: {  	_ =	shalt  }
0x87: {  	_ =	shalt  }
.Lfunc_end0:
.L_simem_size_0:
called_computation_lowered:
.L_overlay_start_0:
0x88: {  	s2 =	sld [smem:$0x3FD9]  }
0x89: {  	s3 =	sld [smem:$0x3FFE];
	_ =	sdelay $0x1  }
0x8a: {  	s1 =	srdreg.scid  }
0x8b: {  	s0 =	sand.u32 $0x1, s1  }
0x8c: {  	s17 =	sshll.u32 s0, $0xA;
	s2 =	sadd.s32 s3, s2  }
0x8d: {  	s2 =	sadd.s32 s2, s17  }
0x8e: {  	[smem:$0x3FC6] =	sst s2  }
0x8f: {  	_ = 	snop  }
0x90: {  	s2 =	sld [smem:$0x3FC8]  }
0x91: {  	s18 =	sld [smem:$0x3FD0];
	(tm) =	ssettm $0x1  }
0x92: {  	s4 =	sld [smem:$0x3FFB];
	_ =	sdelay $0x3  }
0x93: {  	_ =	strace s4  }
0x94: {  	s4 =	sld [smem:$0x3FFC];
	_ =	sdelay $0x3  }
0x95: {  	_ =	strace s4  }
0x96: {  	s4 =	sld [smem:$0x3FFD];
	_ =	sdelay $0x3  }
0x97: {  	_ =	strace s4  }
0x98: {  	_ =	strace $0x8FFFFFFF  }
0x99: {  	s19 =	sld [smem:$0x3FDB];
	_ =	sdelay $0x1  }
0x9a: {  	s5 =	simm.s32 $_scs_section_size  }
0x9b: {  	s6 =	simm.s32 $_size__tile_overlayer_lowered;
	s7 =	simm.s32 $_tile_overlayer_lowered  }
0x9c: {  	s22 =	simm.s32 $0x1BFF;
	s21 =	sshll.u32 s7, $0x1;
	s4 =	sadd.s32 s5, s19  }
0x9d: {  	s8 =	simm.s32 $0x0;
	s20 =	sshll.u32 s6, $0x1;
	s6 =	sadd.s32 s21, s4  }
0x9e: {  	[timem:s8], [sflag:s22] =	dma.local [hbm:s6], s20  }
0x9f: {  	_ =	swait.ge [sflag:s22], s20  }
0xa0: {  	s5 =	ssub.s32 $0x0, s20;
	[sflag:s22] =	ssyncset.done $0x0  }
0xa1: {  	[sflag:s22] =	ssyncadd.s32 s5;
	_ =	sdelay $0x1  }
0xa2: {  	s23 =	simm.s32 $0x1B8B  }
0xa3: {  	_ =	swait.ge [sflag:s23], $0x1  }
0xa4: {  	[sflag:s23] =	ssyncset.done $0x0  }
0xa5: {  	s25 =	simm.s32 $0x1B8E;
	s24 =	sld [smem:$0x3FFE];
	[sflag:s23] =	ssyncadd.s32 $0xFFFFFFFF  }
0xa6: {  	s26 =	simm.s32 $execute0_lowered;
	[smem:$0x3FD2] =	sst s25  }
0xa7: {  	s6 =	sshll.u32 s26, $0x1;
	_ =	strace $0x80000046;
	[dreg:$0x1] =	wrdreg $0xFFFFFFFF  }
0xa8: {  	s28 =	simm.s32 $_size_execute0_lowered;
	s4 =	sadd.s32 s4, s6;
	[dreg:$0x0] =	wrdreg $0x0  }
0xa9: {  	s6 =	sshll.u32 s28, $0x1;
	[dreg:$0x2] =	wrdreg s4  }
0xaa: {  	[dreg:$0x3] =	wrdreg s6  }
0xab: {  	[dreg:$0x4] =	wrdreg $0xC0  }
0xac: {  	_ =	task [dreg:s8], $0x5FFFF  }
0xad: {  	[dreg:$0x1] =	wrdreg $0xFFFFFFFF  }
0xae: {  	[dreg:$0x0] =	wrdreg $0x60  }
0xaf: {  	[dreg:$0x2] =	wrdreg s2  }
0xb0: {  	[dreg:$0x3] =	wrdreg s18  }
0xb1: {  	[dreg:$0x4] =	wrdreg s24  }
0xb2: {  	[dreg:$0x5] =	wrdreg $0x9  }
0xb3: {  	_ =	task.clear_ibuf [dreg:s8], $0x6FFFF;
	_ =	strace $0x90000046  }
0xb4: {  	s29 =	simm.s32 $0x9;
	_ =	strace $0x80000048  }
0xb5: {  	_ =	swait.ge [sflag:s29], $0x1  }
0xb6: {  	[sflag:s29] =	ssyncadd.s32 $0xFFFFFFFF  }
0xb7: {  	_ =	strace $0x90000048  }
0xb8: {  	_ =	sfence  }
0xb9: {  	s30 =	sld [smem:$0x0];
	_ =	sdelay $0x2  }
0xba: {  	s31 =	sshll.u32 s1, $0xD;
	s1 =	sshrl.u32 s1, $0x2  }
0xbb: {  	s3 =	sand.u32 $0x4000, s31;
	s1 =	sadd.s32 s1, s30  }
0xbc: {  	s0 =	sor.u32 s3, s0;
	s1 =	sshll.u32 s1, $0x11  }
0xbd: {  	s0 =	sor.u32 s1, s0  }
0xbe: {  	s0 =	sadd.s32 $0x8F2B, s0  }
0xbf: {  	[sflag:s0] =	ssyncadd.remote.s32 $0x1  }
0xc0: {  	_ =	sfence.sel $0xFFFF  }
0xc1: {  	[dreg:$0x0] =	wrdreg $0xFFFFFFFF;
	(pc) =	sbr.abs _section_cstart, $3  }
0xc2: {  	[dreg:$0x1] =	wrdreg $0xFFFFFFFF  }
0xc3: {  	_ =	task.clear_ibuf [dreg:s8], $0x2FFFF;
	_ =	strace $0x9FFFFFFF  }
0xc4: {  	(tm) =	ssettm $0x7FFFFFFF  }
0xc5: {  	_ =	shalt  }
tec
execute0_lowered:
.L_overlay_start_1:
0x0: {  	(tag) =	ssettag $0x1  }
0x1: {  	s1 =	rddreg [dreg:$0x0]  }
0x2: {  	s0 =	srdreg.scid;
	s2 =	rddreg [dreg:$0x1]  }
0x3: {  	s3 =	stileid.u32;
	s5 =	rddreg [dreg:$0x2];
	s9 =	simm.s32 $0x190  }
0x4: {  	s10 =	simm.s32 $0x1900;
	s11 =	simm.s32 $0x1;
	s12 =	simm.s32 $0xE100  }
0x5: {  	s13 =	simm.s32 $0x3200;
	s14 =	simm.s32 $0x4B00;
	s15 =	simm.s32 $0x6400  }
0x6: {  	s16 =	simm.s32 $0x7D00;
	s17 =	simm.s32 $0x9600;
	s18 =	simm.s32 $0xAF00  }
0x7: {  	s19 =	simm.s32 $0xC800;
	s20 =	simm.s32 $0x2;
	s21 =	simm.s32 $0x3  }
0x8: {  	s22 =	simm.s32 $0xFA00;
	s23 =	simm.s32 $0x11300;
	s24 =	simm.s32 $0x12C00  }
0x9: {  	s25 =	simm.s32 $0x14500;
	s0 =	sand.u32 $0x1, s0;
	s3 =	sshll.u32 s3, $0x1  }
0xa: {  	s26 =	simm.s32 $0x15E00;
	s4 =	sor.u32 s0, s3;
	s0 =	ssub.s32 $0x2, s0  }
0xb: {  	s28 =	simm.s32 $0x17700;
	s4 =	smul.u32 $0x1900, s4;
	s6 =	sshrl.u32 s0, $0x1  }
0xc: {  	s29 =	simm.s32 $0x19000;
	s3 =	simm.s32 $0x0;
	s0 =	ssub.s32 s0, s6  }
0xd: {  	[smem:$0x7FF] =	sst s3;
	s7 =	sshrl.u32 s4, $0x3;
	s0 =	smax.u32 s0, $0x1  }
0xe: {  	_ =	strace $0x80000047;
	s2 =	sadd.s32 s2, s7;
	[dreg:$0x5] =	wrdreg s0  }
0xf: {  	s31 =	simm.s32 $0x0;
	s5 =	sadd.s32 $0x400, s5;
	[dreg:$0x4] =	wrdreg s2  }
.LBB2_1:
0x10: {  	s0 =	rddreg [dreg:$0x4];
	s30 =	simm.s32 $0x5  }
0x11: {  	[tilespmem:s3], [sflag:$0x5] =	stream.linear.gather [hbm4b:s0+s3], $0x1900, $0x38;
	[tilespmem:$0x1A900] =	vst v63  }
0x12: {  	_ =	swait.ge [sflag:s30], $0x1900  }
0x13: {  	[sflag:s30] =	ssyncset.done $0x0  }
0x14: {  	s2 =	simm.s32 $0x0;
	[sflag:s30] =	ssyncadd.s32 $0xFFFFE700  }
0x15: {  	[tilespmem:s10], [sflag:$0x1] =	stream.indirect.gather [hbm4b:s1+s9], $0x80, s3, s9, $0xb8;
	[tilespmem:$0x1A900] =	vst v63  }
.LBB2_2:
0x16: {  	_ =	swait.ge [sflag:s11], $0xC800  }
0x17: {  	p0 =	seq.s32 s2, $0x0;
	[sflag:s11] =	ssyncset.done $0x0  }
0x18: {  	s0 =	simm.s32 @!p0 $0x4;
	[sflag:s11] =	ssyncadd.s32 $0xFFFF3800  }
0x19: {  	s7 =	smul.u32 $0x320, s2;
	_ =	swait.ge @!p0 [sflag:s0], $0xC800  }
0x1a: {  	[sflag:s0] =	ssyncset.done @!p0 $0x0  }
0x1b: {  	s6 =	simm.s32 $0x1B00;
	[sflag:s0] =	ssyncadd.s32 @!p0 $0xFFFF3800;
	s0 =	sadd.s32 $0x190, s7  }
0x1c: {  	[tilespmem:s12], [sflag:$0x2] =	stream.indirect.gather [hbm4b:s1+s9], $0x80, s0, s9, $0xb8;
	[tilespmem:$0x1A900] =	vst v63  }
0x1d: {  	v0 =	vld [tilespmem:s6+$0x1F0]  }
0x1e: {  	v1 =	vld [tilespmem:s6+$0xFFFFFE10]  }
0x1f: {  	v2 =	vld [tilespmem:s6+$0xFFFFFE20]  }
0x20: {  	v11 =	vld [tilespmem:s6+$0xFFFFFEB0]  }
0x21: {  	v8 =	vld [tilespmem:s6+$0xFFFFFE80]  }
0x22: {  	v4 =	vld [tilespmem:s6+$0xFFFFFE40];
	v0 =	vmul.f32 $1.131370830e+01, v0  }
0x23: {  	v3 =	vld [tilespmem:s6+$0xFFFFFE30];
	v1 =	vmul.f32 $1.131370830e+01, v1  }
0x24: {  	v6 =	vld [tilespmem:s6+$0xFFFFFE60];
	v2 =	vmul.f32 $1.131370830e+01, v2;
	[tilespmem:s6+$0x1F0] =	vst v0  }
0x25: {  	v5 =	vld [tilespmem:s6+$0xFFFFFE50];
	v60 =	vmul.f32 $1.131370830e+01, v11;
	[tilespmem:s6+$0xFFFFFE10] =	vst v1  }
0x26: {  	v9 =	vld [tilespmem:s6+$0xFFFFFE90];
	v0 =	vmul.f32 $1.131370830e+01, v8;
	[tilespmem:s6+$0xFFFFFE20] =	vst v2  }
0x27: {  	v1 =	vld [tilespmem:s6+$0xFFFFFEE0];
	v2 =	vmul.f32 $1.131370830e+01, v4;
	[tilespmem:s6+$0xFFFFFEB0] =	vst v60  }
0x28: {  	v7 =	vld [tilespmem:s6+$0xFFFFFE70];
	[tilespmem:s6+$0xFFFFFE80] =	vst v0;
	v0 =	vmul.f32 $1.131370830e+01, v3  }
0x29: {  	v4 =	vld [tilespmem:s6+$0xFFFFFF00];
	[tilespmem:s6+$0xFFFFFE40] =	vst v2;
	v2 =	vmul.f32 $1.131370830e+01, v6  }
0x2a: {  	v3 =	vld [tilespmem:s6+$0xFFFFFEF0];
	[tilespmem:s6+$0xFFFFFE30] =	vst v0;
	v0 =	vmul.f32 $1.131370830e+01, v5  }
0x2b: {  	v12 =	vld [tilespmem:s6+$0xFFFFFEC0];
	[tilespmem:s6+$0xFFFFFE60] =	vst v2;
	v2 =	vmul.f32 $1.131370830e+01, v9  }
0x2c: {  	v10 =	vld [tilespmem:s6+$0xFFFFFEA0];
	v1 =	vmul.f32 $1.131370830e+01, v1;
	[tilespmem:s6+$0xFFFFFE50] =	vst v0  }
0x2d: {  	v6 =	vld [tilespmem:s6+$0xFFFFFF20];
	v0 =	vmul.f32 $1.131370830e+01, v7;
	[tilespmem:s6+$0xFFFFFE90] =	vst v2  }
0x2e: {  	v8 =	vld [tilespmem:s6+$0xFFFFFED0];
	v2 =	vmul.f32 $1.131370830e+01, v4;
	[tilespmem:s6+$0xFFFFFEE0] =	vst v1  }
0x2f: {  	v5 =	vld [tilespmem:s6+$0xFFFFFF10];
	v3 =	vmul.f32 $1.131370830e+01, v3;
	[tilespmem:s6+$0xFFFFFE70] =	vst v0  }
0x30: {  	v59 =	vld [tilespmem:s6+$0xFFFFFF40];
	[tilespmem:s6+$0xFFFFFF00] =	vst v2;
	v2 =	vmul.f32 $1.131370830e+01, v12  }
0x31: {  	v7 =	vld [tilespmem:s6+$0xFFFFFF30];
	v0 =	vmul.f32 $1.131370830e+01, v10;
	[tilespmem:s6+$0xFFFFFEF0] =	vst v3  }
0x32: {  	v3 =	vmul.f32 $1.131370830e+01, v6;
	[tilespmem:s6+$0xFFFFFEC0] =	vst v2;
	v2 =	vld [tilespmem:s6+$0xFFFFFF80]  }
0x33: {  	v8 =	vmul.f32 $1.131370830e+01, v8;
	[tilespmem:s6+$0xFFFFFEA0] =	vst v0;
	v0 =	vld [tilespmem:s6+$0xFFFFFF60]  }
0x34: {  	v1 =	vmul.f32 $1.131370830e+01, v5;
	[tilespmem:s6+$0xFFFFFF20] =	vst v3;
	v3 =	vld [tilespmem:s6+$0xFFFFFFD0]  }
0x35: {  	v9 =	vmul.f32 $1.131370830e+01, v59;
	v4 =	vld [tilespmem:s6+$0xFFFFFF50];
	[tilespmem:s6+$0xFFFFFED0] =	vst v8  }
0x36: {  	v8 =	vld [tilespmem:s6+$0xFFFFFF90];
	[tilespmem:s6+$0xFFFFFF10] =	vst v1;
	v1 =	vmul.f32 $1.131370830e+01, v7  }
0x37: {  	v61 =	vld [tilespmem:s6+$0xFFFFFF70];
	[tilespmem:s6+$0xFFFFFF40] =	vst v9;
	v2 =	vmul.f32 $1.131370830e+01, v2  }
0x38: {  	v6 =	vld [tilespmem:s6+$0xFFFFFFB0];
	[tilespmem:s6+$0xFFFFFF30] =	vst v1;
	v0 =	vmul.f32 $1.131370830e+01, v0  }
0x39: {  	v5 =	vld [tilespmem:s6+$0xFFFFFFA0];
	v3 =	vmul.f32 $1.131370830e+01, v3;
	[tilespmem:s6+$0xFFFFFF80] =	vst v2  }
0x3a: {  	v62 =	vld [tilespmem:s6+$0x0];
	v2 =	vmul.f32 $1.131370830e+01, v4;
	[tilespmem:s6+$0xFFFFFF60] =	vst v0  }
0x3b: {  	v7 =	vld [tilespmem:s6+$0xFFFFFFC0];
	v0 =	vmul.f32 $1.131370830e+01, v8;
	[tilespmem:s6+$0xFFFFFFD0] =	vst v3  }
0x3c: {  	v1 =	vld [tilespmem:s6+$0xFFFFFFE0];
	[tilespmem:s6+$0xFFFFFF50] =	vst v2;
	v2 =	vmul.f32 $1.131370830e+01, v61  }
0x3d: {  	v4 =	vld [tilespmem:s6+$0xFFFFFFF0];
	[tilespmem:s6+$0xFFFFFF90] =	vst v0;
	v0 =	vmul.f32 $1.131370830e+01, v6  }
0x3e: {  	v8 =	vld [tilespmem:s6+$0x10];
	[tilespmem:s6+$0xFFFFFF70] =	vst v2;
	v2 =	vmul.f32 $1.131370830e+01, v5  }
0x3f: {  	v5 =	vld [tilespmem:s6+$0x20];
	[tilespmem:s6+$0xFFFFFFB0] =	vst v0;
	v0 =	vmul.f32 $1.131370830e+01, v62  }
0x40: {  	v6 =	vld [tilespmem:s6+$0x30];
	[tilespmem:s6+$0xFFFFFFA0] =	vst v2;
	v2 =	vmul.f32 $1.131370830e+01, v7  }
0x41: {  	v7 =	vld [tilespmem:s6+$0x40];
	[tilespmem:s6+$0x0] =	vst v0;
	v0 =	vmul.f32 $1.131370830e+01, v1  }
0x42: {  	v63 =	vld [tilespmem:s6+$0x50];
	v1 =	vmul.f32 $1.131370830e+01, v4;
	[tilespmem:s6+$0xFFFFFFC0] =	vst v2  }
0x43: {  	v4 =	vld [tilespmem:s6+$0x80];
	[tilespmem:s6+$0xFFFFFFE0] =	vst v0;
	v0 =	vmul.f32 $1.131370830e+01, v8  }
0x44: {  	v2 =	vld [tilespmem:s6+$0x60];
	[tilespmem:s6+$0xFFFFFFF0] =	vst v1;
	v1 =	vmul.f32 $1.131370830e+01, v5  }
0x45: {  	v3 =	vld [tilespmem:s6+$0x70];
	[tilespmem:s6+$0x10] =	vst v0;
	v0 =	vmul.f32 $1.131370830e+01, v6  }
0x46: {  	v5 =	vld [tilespmem:s6+$0x90];
	[tilespmem:s6+$0x20] =	vst v1;
	v1 =	vmul.f32 $1.131370830e+01, v7  }
0x47: {  	v6 =	vld [tilespmem:s6+$0xA0];
	[tilespmem:s6+$0x30] =	vst v0;
	v0 =	vmul.f32 $1.131370830e+01, v63  }
0x48: {  	v7 =	vld [tilespmem:s6+$0xB0];
	[tilespmem:s6+$0x40] =	vst v1;
	v1 =	vmul.f32 $1.131370830e+01, v4  }
0x49: {  	v8 =	vld [tilespmem:s6+$0xC0];
	v2 =	vmul.f32 $1.131370830e+01, v2;
	[tilespmem:s6+$0x50] =	vst v0  }
0x4a: {  	v4 =	vld [tilespmem:s6+$0xD0];
	[tilespmem:s6+$0x80] =	vst v1;
	v1 =	vmul.f32 $1.131370830e+01, v3  }
0x4b: {  	v0 =	vld [tilespmem:s6+$0xE0];
	[tilespmem:s6+$0x60] =	vst v2;
	v2 =	vmul.f32 $1.131370830e+01, v5  }
0x4c: {  	v3 =	vld [tilespmem:s6+$0xF0];
	[tilespmem:s6+$0x70] =	vst v1;
	v1 =	vmul.f32 $1.131370830e+01, v6  }
0x4d: {  	v5 =	vld [tilespmem:s6+$0x100];
	[tilespmem:s6+$0x90] =	vst v2;
	v2 =	vmul.f32 $1.131370830e+01, v7  }
0x4e: {  	v6 =	vld [tilespmem:s6+$0x110];
	[tilespmem:s6+$0xA0] =	vst v1;
	v1 =	vmul.f32 $1.131370830e+01, v8  }
0x4f: {  	v7 =	vld [tilespmem:s6+$0x120];
	[tilespmem:s6+$0xB0] =	vst v2;
	v2 =	vmul.f32 $1.131370830e+01, v4  }
0x50: {  	v4 =	vld [tilespmem:s6+$0x130];
	v0 =	vmul.f32 $1.131370830e+01, v0;
	[tilespmem:s6+$0xC0] =	vst v1  }
0x51: {  	v3 =	vmul.f32 $1.131370830e+01, v3;
	v1 =	vld [tilespmem:s6+$0x140];
	[tilespmem:s6+$0xD0] =	vst v2  }
0x52: {  	v2 =	vmul.f32 $1.131370830e+01, v5;
	v5 =	vld [tilespmem:s6+$0x150];
	[tilespmem:s6+$0xE0] =	vst v0  }
0x53: {  	v0 =	vld [tilespmem:s6+$0x160];
	v6 =	vmul.f32 $1.131370830e+01, v6;
	[tilespmem:s6+$0xF0] =	vst v3  }
0x54: {  	v3 =	vld [tilespmem:s6+$0x170];
	[tilespmem:s6+$0x100] =	vst v2;
	v2 =	vmul.f32 $1.131370830e+01, v7  }
0x55: {  	[tilespmem:s6+$0x110] =	vst v6;
	v4 =	vmul.f32 $1.131370830e+01, v4;
	v6 =	vld [tilespmem:s6+$0x180]  }
0x56: {  	v7 =	vld [tilespmem:s6+$0x190];
	[tilespmem:s6+$0x120] =	vst v2;
	v1 =	vmul.f32 $1.131370830e+01, v1  }
0x57: {  	v8 =	vld [tilespmem:s6+$0x1A0];
	[tilespmem:s6+$0x130] =	vst v4;
	v2 =	vmul.f32 $1.131370830e+01, v5  }
0x58: {  	v4 =	vld [tilespmem:s6+$0x1B0];
	[tilespmem:s6+$0x140] =	vst v1;
	v1 =	vmul.f32 $1.131370830e+01, v0  }
0x59: {  	[tilespmem:s6+$0x150] =	vst v2;
	v2 =	vmul.f32 $1.131370830e+01, v3;
	v0 =	vld [tilespmem:s6+$0x1C0]  }
0x5a: {  	v6 =	vmul.f32 $1.131370830e+01, v6;
	[tilespmem:s6+$0x160] =	vst v1;
	v1 =	vld [tilespmem:s6+$0x1D0]  }
0x5b: {  	v5 =	vmul.f32 $1.131370830e+01, v7;
	[tilespmem:s6+$0x170] =	vst v2;
	v2 =	vld [tilespmem:s6+$0x1E0]  }
0x5c: {  	s8 =	simm.s32 $0x0;
	s30 =	simm.s32 $0x1F00;
	v3 =	vld [tilespmem:s6+$0xFFFFFE00];
	[tilespmem:s6+$0x180] =	vst v6;
	v6 =	vmul.f32 $1.131370830e+01, v8  }
.LBB2_3:
0x5d: {  	v7 =	vld [tilespmem:s30+$0x1F0];
	s8 =	sadd.s32 $0x8, s8;
	[tilespmem:s6+$0x190] =	vst v5;
	v4 =	vmul.f32 $1.131370830e+01, v4  }
0x5e: {  	v5 =	vld [tilespmem:s30+$0xFFFFFE10];
	p0 =	slt.u32 s8, $0x188;
	[tilespmem:s6+$0x1A0] =	vst v6;
	v0 =	vmul.f32 $1.131370830e+01, v0  }
0x5f: {  	v6 =	vld [tilespmem:s30+$0xFFFFFE20];
	[tilespmem:s6+$0x1B0] =	vst v4;
	v1 =	vmul.f32 $1.131370830e+01, v1  }
0x60: {  	v4 =	vld [tilespmem:s30+$0xFFFFFE30];
	[tilespmem:s6+$0x1C0] =	vst v0;
	v0 =	vmul.f32 $1.131370830e+01, v2  }
0x61: {  	v2 =	vld [tilespmem:s30+$0xFFFFFE40];
	v3 =	vmul.f32 $1.131370830e+01, v3;
	[tilespmem:s6+$0x1D0] =	vst v1  }
0x62: {  	v1 =	vld [tilespmem:s30+$0xFFFFFE50];
	v7 =	vmul.f32 $1.131370830e+01, v7;
	[tilespmem:s6+$0x1E0] =	vst v0  }
0x63: {  	v0 =	vmul.f32 $1.131370830e+01, v5;
	v5 =	vld [tilespmem:s30+$0xFFFFFE60];
	[tilespmem:s6+$0xFFFFFE00] =	vst v3;
	s6 =	smov.u32 s30  }
0x64: {  	v3 =	vmul.f32 $1.131370830e+01, v6;
	v6 =	vld [tilespmem:s30+$0xFFFFFE70];
	[tilespmem:s30+$0x1F0] =	vst v7  }
0x65: {  	[tilespmem:s30+$0xFFFFFE10] =	vst v0;
	v0 =	vmul.f32 $1.131370830e+01, v4;
	v4 =	vld [tilespmem:s30+$0xFFFFFE80]  }
0x66: {  	[tilespmem:s30+$0xFFFFFE20] =	vst v3;
	v2 =	vmul.f32 $1.131370830e+01, v2;
	v3 =	vld [tilespmem:s30+$0xFFFFFE90]  }
0x67: {  	[tilespmem:s30+$0xFFFFFE30] =	vst v0;
	v0 =	vmul.f32 $1.131370830e+01, v1;
	v1 =	vld [tilespmem:s30+$0xFFFFFEA0]  }
0x68: {  	[tilespmem:s30+$0xFFFFFE40] =	vst v2;
	v2 =	vmul.f32 $1.131370830e+01, v5;
	v5 =	vld [tilespmem:s30+$0xFFFFFEB0]  }
0x69: {  	[tilespmem:s30+$0xFFFFFE50] =	vst v0;
	v0 =	vmul.f32 $1.131370830e+01, v6;
	v6 =	vld [tilespmem:s30+$0xFFFFFEC0]  }
0x6a: {  	[tilespmem:s30+$0xFFFFFE60] =	vst v2;
	v2 =	vmul.f32 $1.131370830e+01, v4;
	v4 =	vld [tilespmem:s30+$0xFFFFFED0]  }
0x6b: {  	[tilespmem:s30+$0xFFFFFE70] =	vst v0;
	v0 =	vmul.f32 $1.131370830e+01, v3;
	v3 =	vld [tilespmem:s30+$0xFFFFFEE0]  }
0x6c: {  	[tilespmem:s30+$0xFFFFFE80] =	vst v2;
	v1 =	vmul.f32 $1.131370830e+01, v1;
	v2 =	vld [tilespmem:s30+$0xFFFFFEF0]  }
0x6d: {  	[tilespmem:s30+$0xFFFFFE90] =	vst v0;
	v0 =	vmul.f32 $1.131370830e+01, v5;
	v5 =	vld [tilespmem:s30+$0xFFFFFF00]  }
0x6e: {  	[tilespmem:s30+$0xFFFFFEA0] =	vst v1;
	v1 =	vmul.f32 $1.131370830e+01, v6;
	v6 =	vld [tilespmem:s30+$0xFFFFFF10]  }
0x6f: {  	[tilespmem:s30+$0xFFFFFEB0] =	vst v0;
	v0 =	vmul.f32 $1.131370830e+01, v4;
	v4 =	vld [tilespmem:s30+$0xFFFFFF20]  }
0x70: {  	[tilespmem:s30+$0xFFFFFEC0] =	vst v1;
	v1 =	vmul.f32 $1.131370830e+01, v3;
	v3 =	vld [tilespmem:s30+$0xFFFFFF30]  }
0x71: {  	[tilespmem:s30+$0xFFFFFED0] =	vst v0;
	v0 =	vmul.f32 $1.131370830e+01, v2;
	v2 =	vld [tilespmem:s30+$0xFFFFFF40]  }
0x72: {  	[tilespmem:s30+$0xFFFFFEE0] =	vst v1;
	v1 =	vmul.f32 $1.131370830e+01, v5;
	v5 =	vld [tilespmem:s30+$0xFFFFFF50]  }
0x73: {  	[tilespmem:s30+$0xFFFFFEF0] =	vst v0;
	v0 =	vmul.f32 $1.131370830e+01, v6;
	v6 =	vld [tilespmem:s30+$0xFFFFFF60]  }
0x74: {  	[tilespmem:s30+$0xFFFFFF00] =	vst v1;
	v1 =	vmul.f32 $1.131370830e+01, v4;
	v4 =	vld [tilespmem:s30+$0xFFFFFF70]  }
0x75: {  	[tilespmem:s30+$0xFFFFFF10] =	vst v0;
	v0 =	vmul.f32 $1.131370830e+01, v3;
	v3 =	vld [tilespmem:s30+$0xFFFFFF80]  }
0x76: {  	[tilespmem:s30+$0xFFFFFF20] =	vst v1;
	v1 =	vmul.f32 $1.131370830e+01, v2;
	v2 =	vld [tilespmem:s30+$0xFFFFFF90]  }
0x77: {  	[tilespmem:s30+$0xFFFFFF30] =	vst v0;
	v0 =	vmul.f32 $1.131370830e+01, v5;
	v5 =	vld [tilespmem:s30+$0xFFFFFFA0]  }
0x78: {  	[tilespmem:s30+$0xFFFFFF40] =	vst v1;
	v1 =	vmul.f32 $1.131370830e+01, v6;
	v6 =	vld [tilespmem:s30+$0xFFFFFFB0]  }
0x79: {  	[tilespmem:s30+$0xFFFFFF50] =	vst v0;
	v0 =	vmul.f32 $1.131370830e+01, v4;
	v4 =	vld [tilespmem:s30+$0xFFFFFFC0]  }
0x7a: {  	[tilespmem:s30+$0xFFFFFF60] =	vst v1;
	v1 =	vmul.f32 $1.131370830e+01, v3;
	v3 =	vld [tilespmem:s30+$0xFFFFFFD0]  }
0x7b: {  	[tilespmem:s30+$0xFFFFFF70] =	vst v0;
	v0 =	vmul.f32 $1.131370830e+01, v2;
	v2 =	vld [tilespmem:s30+$0xFFFFFFE0]  }
0x7c: {  	[tilespmem:s30+$0xFFFFFF80] =	vst v1;
	v1 =	vmul.f32 $1.131370830e+01, v5;
	v5 =	vld [tilespmem:s30+$0xFFFFFFF0]  }
0x7d: {  	[tilespmem:s30+$0xFFFFFF90] =	vst v0;
	v0 =	vmul.f32 $1.131370830e+01, v6;
	v6 =	vld [tilespmem:s30+$0x0]  }
0x7e: {  	[tilespmem:s30+$0xFFFFFFA0] =	vst v1;
	v1 =	vmul.f32 $1.131370830e+01, v4;
	v4 =	vld [tilespmem:s30+$0x10]  }
0x7f: {  	[tilespmem:s30+$0xFFFFFFB0] =	vst v0;
	v0 =	vmul.f32 $1.131370830e+01, v3;
	v3 =	vld [tilespmem:s30+$0x20]  }
0x80: {  	[tilespmem:s30+$0xFFFFFFC0] =	vst v1;
	v1 =	vmul.f32 $1.131370830e+01, v2;
	v2 =	vld [tilespmem:s30+$0x30]  }
0x81: {  	[tilespmem:s30+$0xFFFFFFD0] =	vst v0;
	v0 =	vmul.f32 $1.131370830e+01, v5;
	v5 =	vld [tilespmem:s30+$0x40]  }
0x82: {  	[tilespmem:s30+$0xFFFFFFE0] =	vst v1;
	v1 =	vmul.f32 $1.131370830e+01, v6;
	v6 =	vld [tilespmem:s30+$0x50]  }
0x83: {  	[tilespmem:s30+$0xFFFFFFF0] =	vst v0;
	v0 =	vmul.f32 $1.131370830e+01, v4;
	v4 =	vld [tilespmem:s30+$0x60]  }
0x84: {  	[tilespmem:s30+$0x0] =	vst v1;
	v1 =	vmul.f32 $1.131370830e+01, v3;
	v3 =	vld [tilespmem:s30+$0x70]  }
0x85: {  	[tilespmem:s30+$0x10] =	vst v0;
	v0 =	vmul.f32 $1.131370830e+01, v2;
	v2 =	vld [tilespmem:s30+$0x80]  }
0x86: {  	[tilespmem:s30+$0x20] =	vst v1;
	v1 =	vmul.f32 $1.131370830e+01, v5;
	v5 =	vld [tilespmem:s30+$0x90]  }
0x87: {  	[tilespmem:s30+$0x30] =	vst v0;
	v0 =	vmul.f32 $1.131370830e+01, v6;
	v6 =	vld [tilespmem:s30+$0xA0]  }
0x88: {  	[tilespmem:s30+$0x40] =	vst v1;
	v1 =	vmul.f32 $1.131370830e+01, v4;
	v4 =	vld [tilespmem:s30+$0xB0]  }
0x89: {  	[tilespmem:s30+$0x50] =	vst v0;
	v0 =	vmul.f32 $1.131370830e+01, v3;
	v3 =	vld [tilespmem:s30+$0xC0]  }
0x8a: {  	[tilespmem:s30+$0x60] =	vst v1;
	v1 =	vmul.f32 $1.131370830e+01, v2;
	v2 =	vld [tilespmem:s30+$0xD0]  }
0x8b: {  	[tilespmem:s30+$0x70] =	vst v0;
	v0 =	vmul.f32 $1.131370830e+01, v5;
	v5 =	vld [tilespmem:s30+$0xE0]  }
0x8c: {  	[tilespmem:s30+$0x80] =	vst v1;
	v1 =	vmul.f32 $1.131370830e+01, v6;
	v6 =	vld [tilespmem:s30+$0xF0]  }
0x8d: {  	[tilespmem:s30+$0x90] =	vst v0;
	v0 =	vmul.f32 $1.131370830e+01, v4;
	v4 =	vld [tilespmem:s30+$0x100]  }
0x8e: {  	[tilespmem:s30+$0xA0] =	vst v1;
	v1 =	vmul.f32 $1.131370830e+01, v3;
	v3 =	vld [tilespmem:s30+$0x110]  }
0x8f: {  	[tilespmem:s30+$0xB0] =	vst v0;
	v0 =	vmul.f32 $1.131370830e+01, v2;
	v2 =	vld [tilespmem:s30+$0x120]  }
0x90: {  	[tilespmem:s30+$0xC0] =	vst v1;
	v1 =	vmul.f32 $1.131370830e+01, v5;
	v5 =	vld [tilespmem:s30+$0x130]  }
0x91: {  	[tilespmem:s30+$0xD0] =	vst v0;
	v0 =	vmul.f32 $1.131370830e+01, v6;
	v6 =	vld [tilespmem:s30+$0x140]  }
0x92: {  	[tilespmem:s30+$0xE0] =	vst v1;
	v1 =	vmul.f32 $1.131370830e+01, v4;
	v4 =	vld [tilespmem:s30+$0x150]  }
0x93: {  	[tilespmem:s30+$0xF0] =	vst v0;
	v0 =	vmul.f32 $1.131370830e+01, v3;
	v3 =	vld [tilespmem:s30+$0x160]  }
0x94: {  	[tilespmem:s30+$0x100] =	vst v1;
	v1 =	vmul.f32 $1.131370830e+01, v2;
	v2 =	vld [tilespmem:s30+$0x170]  }
0x95: {  	[tilespmem:s30+$0x110] =	vst v0;
	v0 =	vmul.f32 $1.131370830e+01, v5;
	v5 =	vld [tilespmem:s30+$0x180]  }
0x96: {  	[tilespmem:s30+$0x120] =	vst v1;
	v1 =	vmul.f32 $1.131370830e+01, v6;
	v6 =	vld [tilespmem:s30+$0x190]  }
0x97: {  	[tilespmem:s30+$0x130] =	vst v0;
	v0 =	vmul.f32 $1.131370830e+01, v4;
	v7 =	vld [tilespmem:s30+$0x1A0]  }
.Ltmp0:
0x98: {  	[tilespmem:s30+$0x140] =	vst v1;
	v1 =	vmul.f32 $1.131370830e+01, v3;
	v4 =	vld [tilespmem:s30+$0x1B0];
	(pc) =	sbr.rel @p0 .LBB2_3-.Ltmp0, $4  }
0x99: {  	[tilespmem:s30+$0x150] =	vst v0;
	v2 =	vmul.f32 $1.131370830e+01, v2;
	v0 =	vld [tilespmem:s30+$0x1C0]  }
0x9a: {  	[tilespmem:s30+$0x160] =	vst v1;
	v8 =	vmul.f32 $1.131370830e+01, v5;
	v1 =	vld [tilespmem:s30+$0x1D0]  }
0x9b: {  	[tilespmem:s30+$0x170] =	vst v2;
	v5 =	vmul.f32 $1.131370830e+01, v6;
	v2 =	vld [tilespmem:s30+$0x1E0]  }
0x9c: {  	s30 =	sadd.s32 $0x400, s30;
	v3 =	vld [tilespmem:s6+$0xFFFFFE00];
	[tilespmem:s6+$0x180] =	vst v8;
	v6 =	vmul.f32 $1.131370830e+01, v7  }
0x9d: {  	s7 =	sadd.s32 s4, s7  }
0x9e: {  	[tilespmem:s6+$0x190] =	vst v5;
	v4 =	vmul.f32 $1.131370830e+01, v4;
	s7 =	smulhi.u32 $0x51EB851F, s7  }
0x9f: {  	[tilespmem:s6+$0x1A0] =	vst v6;
	v0 =	vmul.f32 $1.131370830e+01, v0  }
0xa0: {  	[tilespmem:s6+$0x1B0] =	vst v4;
	v1 =	vmul.f32 $1.131370830e+01, v1;
	s7 =	sshrl.u32 s7, $0x4  }
0xa1: {  	[tilespmem:s6+$0x1C0] =	vst v0;
	v0 =	vmul.f32 $1.131370830e+01, v2;
	s8 =	smul.u32 $0x380, s7  }
0xa2: {  	v2 =	vmul.f32 $1.131370830e+01, v3;
	[tilespmem:s6+$0x1D0] =	vst v1;
	s7 =	smul.u32 $0x1C00, s7  }
0xa3: {  	[tilespmem:s6+$0x1E0] =	vst v0  }
0xa4: {  	[tilespmem:s6+$0xFFFFFE00] =	vst v2;
	s30 =	sadd.s32 s5, s8;
	s7 =	sshrl.u32 s7, $0x3  }
0xa5: {  	[hbm4b:s30+s3] =	stream.linear.scatter [tilespmem:s10], [sflag:$0x3], $0x1900, $0x38;
	[tilespmem:$0x1A900] =	vst v63  }
0xa6: {  	s6 =	sadd.s32 s5, s7  }
0xa7: {  	s8 =	sadd.s32 $0x380, s6  }
0xa8: {  	[hbm4b:s8+s3] =	stream.linear.scatter [tilespmem:s13], [sflag:$0x3], $0x1900, $0x38;
	[tilespmem:$0x1A900] =	vst v63  }
0xa9: {  	s30 =	sadd.s32 $0x700, s6  }
0xaa: {  	[hbm4b:s30+s3] =	stream.linear.scatter [tilespmem:s14], [sflag:$0x3], $0x1900, $0x38;
	[tilespmem:$0x1A900] =	vst v63  }
0xab: {  	s8 =	sadd.s32 $0xA80, s6  }
0xac: {  	[hbm4b:s8+s3] =	stream.linear.scatter [tilespmem:s15], [sflag:$0x3], $0x1900, $0x38;
	[tilespmem:$0x1A900] =	vst v63  }
0xad: {  	s30 =	sadd.s32 $0xE00, s6  }
0xae: {  	[hbm4b:s30+s3] =	stream.linear.scatter [tilespmem:s16], [sflag:$0x3], $0x1900, $0x38;
	[tilespmem:$0x1A900] =	vst v63  }
0xaf: {  	s8 =	sadd.s32 $0x1180, s6  }
0xb0: {  	[hbm4b:s8+s3] =	stream.linear.scatter [tilespmem:s17], [sflag:$0x3], $0x1900, $0x38;
	[tilespmem:$0x1A900] =	vst v63  }
0xb1: {  	s30 =	sadd.s32 $0x1500, s6  }
0xb2: {  	[hbm4b:s30+s3] =	stream.linear.scatter [tilespmem:s18], [sflag:$0x3], $0x1900, $0x38;
	[tilespmem:$0x1A900] =	vst v63  }
0xb3: {  	s6 =	sadd.s32 $0x1880, s6  }
0xb4: {  	[hbm4b:s6+s3] =	stream.linear.scatter [tilespmem:s19], [sflag:$0x3], $0x1900, $0x38;
	[tilespmem:$0x1A900] =	vst v63  }
0xb5: {  	_ =	swait.ge [sflag:s20], $0xC800  }
0xb6: {  	p0 =	seq.s32 s2, $0x7;
	[sflag:s20] =	ssyncset.done $0x0  }
0xb7: {  	s6 =	smul.u32 @!p0 $0xC80, s2;
	[sflag:s20] =	ssyncadd.s32 $0xFFFF3800  }
0xb8: {  	_ =	swait.ge [sflag:s21], $0xC800  }
0xb9: {  	s7 =	simm.s32 @!p0 $0x190;
	s6 =	sshra.s32 @!p0 s6, $0x2;
	[sflag:s21] =	ssyncset.done $0x0  }
0xba: {  	s8 =	simm.s32 @!p0 $0x1900;
	s6 =	sadd.s32 @!p0 $0x320, s6;
	[sflag:s21] =	ssyncadd.s32 $0xFFFF3800  }
0xbb: {  	[tilespmem:s8], [sflag:$0x1] =	stream.indirect.gather @!p0 [hbm4b:s1+s7], $0x80, s6, s7, $0xb8;
	[tilespmem:$0x1A900] =	vst v63  }
0xbc: {  	s6 =	simm.s32 $0xE300  }
0xbd: {  	v0 =	vld [tilespmem:s6+$0x1F0]  }
0xbe: {  	v1 =	vld [tilespmem:s6+$0xFFFFFE10]  }
0xbf: {  	v2 =	vld [tilespmem:s6+$0xFFFFFE20]  }
0xc0: {  	v11 =	vld [tilespmem:s6+$0xFFFFFEB0]  }
0xc1: {  	v8 =	vld [tilespmem:s6+$0xFFFFFE80]  }
0xc2: {  	v4 =	vld [tilespmem:s6+$0xFFFFFE40];
	v0 =	vmul.f32 $1.131370830e+01, v0  }
0xc3: {  	v3 =	vld [tilespmem:s6+$0xFFFFFE30];
	v1 =	vmul.f32 $1.131370830e+01, v1  }
0xc4: {  	v6 =	vld [tilespmem:s6+$0xFFFFFE60];
	v2 =	vmul.f32 $1.131370830e+01, v2;
	[tilespmem:s6+$0x1F0] =	vst v0  }
0xc5: {  	v5 =	vld [tilespmem:s6+$0xFFFFFE50];
	v60 =	vmul.f32 $1.131370830e+01, v11;
	[tilespmem:s6+$0xFFFFFE10] =	vst v1  }
0xc6: {  	v9 =	vld [tilespmem:s6+$0xFFFFFE90];
	v0 =	vmul.f32 $1.131370830e+01, v8;
	[tilespmem:s6+$0xFFFFFE20] =	vst v2  }
0xc7: {  	v1 =	vld [tilespmem:s6+$0xFFFFFEE0];
	v2 =	vmul.f32 $1.131370830e+01, v4;
	[tilespmem:s6+$0xFFFFFEB0] =	vst v60  }
0xc8: {  	v7 =	vld [tilespmem:s6+$0xFFFFFE70];
	[tilespmem:s6+$0xFFFFFE80] =	vst v0;
	v0 =	vmul.f32 $1.131370830e+01, v3  }
0xc9: {  	v4 =	vld [tilespmem:s6+$0xFFFFFF00];
	[tilespmem:s6+$0xFFFFFE40] =	vst v2;
	v2 =	vmul.f32 $1.131370830e+01, v6  }
0xca: {  	v3 =	vld [tilespmem:s6+$0xFFFFFEF0];
	[tilespmem:s6+$0xFFFFFE30] =	vst v0;
	v0 =	vmul.f32 $1.131370830e+01, v5  }
0xcb: {  	v12 =	vld [tilespmem:s6+$0xFFFFFEC0];
	[tilespmem:s6+$0xFFFFFE60] =	vst v2;
	v2 =	vmul.f32 $1.131370830e+01, v9  }
0xcc: {  	v10 =	vld [tilespmem:s6+$0xFFFFFEA0];
	v1 =	vmul.f32 $1.131370830e+01, v1;
	[tilespmem:s6+$0xFFFFFE50] =	vst v0  }
0xcd: {  	v6 =	vld [tilespmem:s6+$0xFFFFFF20];
	v0 =	vmul.f32 $1.131370830e+01, v7;
	[tilespmem:s6+$0xFFFFFE90] =	vst v2  }
0xce: {  	v8 =	vld [tilespmem:s6+$0xFFFFFED0];
	v2 =	vmul.f32 $1.131370830e+01, v4;
	[tilespmem:s6+$0xFFFFFEE0] =	vst v1  }
0xcf: {  	v5 =	vld [tilespmem:s6+$0xFFFFFF10];
	v3 =	vmul.f32 $1.131370830e+01, v3;
	[tilespmem:s6+$0xFFFFFE70] =	vst v0  }
0xd0: {  	v59 =	vld [tilespmem:s6+$0xFFFFFF40];
	[tilespmem:s6+$0xFFFFFF00] =	vst v2;
	v2 =	vmul.f32 $1.131370830e+01, v12  }
0xd1: {  	v7 =	vld [tilespmem:s6+$0xFFFFFF30];
	v0 =	vmul.f32 $1.131370830e+01, v10;
	[tilespmem:s6+$0xFFFFFEF0] =	vst v3  }
0xd2: {  	v3 =	vmul.f32 $1.131370830e+01, v6;
	[tilespmem:s6+$0xFFFFFEC0] =	vst v2;
	v2 =	vld [tilespmem:s6+$0xFFFFFF80]  }
0xd3: {  	v8 =	vmul.f32 $1.131370830e+01, v8;
	[tilespmem:s6+$0xFFFFFEA0] =	vst v0;
	v0 =	vld [tilespmem:s6+$0xFFFFFF60]  }
0xd4: {  	v1 =	vmul.f32 $1.131370830e+01, v5;
	[tilespmem:s6+$0xFFFFFF20] =	vst v3;
	v3 =	vld [tilespmem:s6+$0xFFFFFFD0]  }
0xd5: {  	v9 =	vmul.f32 $1.131370830e+01, v59;
	v4 =	vld [tilespmem:s6+$0xFFFFFF50];
	[tilespmem:s6+$0xFFFFFED0] =	vst v8  }
0xd6: {  	v8 =	vld [tilespmem:s6+$0xFFFFFF90];
	[tilespmem:s6+$0xFFFFFF10] =	vst v1;
	v1 =	vmul.f32 $1.131370830e+01, v7  }
0xd7: {  	v61 =	vld [tilespmem:s6+$0xFFFFFF70];
	[tilespmem:s6+$0xFFFFFF40] =	vst v9;
	v2 =	vmul.f32 $1.131370830e+01, v2  }
0xd8: {  	v6 =	vld [tilespmem:s6+$0xFFFFFFB0];
	[tilespmem:s6+$0xFFFFFF30] =	vst v1;
	v0 =	vmul.f32 $1.131370830e+01, v0  }
0xd9: {  	v5 =	vld [tilespmem:s6+$0xFFFFFFA0];
	v3 =	vmul.f32 $1.131370830e+01, v3;
	[tilespmem:s6+$0xFFFFFF80] =	vst v2  }
0xda: {  	v62 =	vld [tilespmem:s6+$0x0];
	v2 =	vmul.f32 $1.131370830e+01, v4;
	[tilespmem:s6+$0xFFFFFF60] =	vst v0  }
0xdb: {  	v7 =	vld [tilespmem:s6+$0xFFFFFFC0];
	v0 =	vmul.f32 $1.131370830e+01, v8;
	[tilespmem:s6+$0xFFFFFFD0] =	vst v3  }
0xdc: {  	v1 =	vld [tilespmem:s6+$0xFFFFFFE0];
	[tilespmem:s6+$0xFFFFFF50] =	vst v2;
	v2 =	vmul.f32 $1.131370830e+01, v61  }
0xdd: {  	v4 =	vld [tilespmem:s6+$0xFFFFFFF0];
	[tilespmem:s6+$0xFFFFFF90] =	vst v0;
	v0 =	vmul.f32 $1.131370830e+01, v6  }
0xde: {  	v8 =	vld [tilespmem:s6+$0x10];
	[tilespmem:s6+$0xFFFFFF70] =	vst v2;
	v2 =	vmul.f32 $1.131370830e+01, v5  }
0xdf: {  	v5 =	vld [tilespmem:s6+$0x20];
	[tilespmem:s6+$0xFFFFFFB0] =	vst v0;
	v0 =	vmul.f32 $1.131370830e+01, v62  }
0xe0: {  	v6 =	vld [tilespmem:s6+$0x30];
	[tilespmem:s6+$0xFFFFFFA0] =	vst v2;
	v2 =	vmul.f32 $1.131370830e+01, v7  }
0xe1: {  	v7 =	vld [tilespmem:s6+$0x40];
	[tilespmem:s6+$0x0] =	vst v0;
	v0 =	vmul.f32 $1.131370830e+01, v1  }
0xe2: {  	v63 =	vld [tilespmem:s6+$0x50];
	v1 =	vmul.f32 $1.131370830e+01, v4;
	[tilespmem:s6+$0xFFFFFFC0] =	vst v2  }
0xe3: {  	v4 =	vld [tilespmem:s6+$0x80];
	[tilespmem:s6+$0xFFFFFFE0] =	vst v0;
	v0 =	vmul.f32 $1.131370830e+01, v8  }
0xe4: {  	v2 =	vld [tilespmem:s6+$0x60];
	[tilespmem:s6+$0xFFFFFFF0] =	vst v1;
	v1 =	vmul.f32 $1.131370830e+01, v5  }
0xe5: {  	v3 =	vld [tilespmem:s6+$0x70];
	[tilespmem:s6+$0x10] =	vst v0;
	v0 =	vmul.f32 $1.131370830e+01, v6  }
0xe6: {  	v5 =	vld [tilespmem:s6+$0x90];
	[tilespmem:s6+$0x20] =	vst v1;
	v1 =	vmul.f32 $1.131370830e+01, v7  }
0xe7: {  	v6 =	vld [tilespmem:s6+$0xA0];
	[tilespmem:s6+$0x30] =	vst v0;
	v0 =	vmul.f32 $1.131370830e+01, v63  }
0xe8: {  	v7 =	vld [tilespmem:s6+$0xB0];
	[tilespmem:s6+$0x40] =	vst v1;
	v1 =	vmul.f32 $1.131370830e+01, v4  }
0xe9: {  	v8 =	vld [tilespmem:s6+$0xC0];
	v2 =	vmul.f32 $1.131370830e+01, v2;
	[tilespmem:s6+$0x50] =	vst v0  }
0xea: {  	v4 =	vld [tilespmem:s6+$0xD0];
	[tilespmem:s6+$0x80] =	vst v1;
	v1 =	vmul.f32 $1.131370830e+01, v3  }
0xeb: {  	v0 =	vld [tilespmem:s6+$0xE0];
	[tilespmem:s6+$0x60] =	vst v2;
	v2 =	vmul.f32 $1.131370830e+01, v5  }
0xec: {  	v3 =	vld [tilespmem:s6+$0xF0];
	[tilespmem:s6+$0x70] =	vst v1;
	v1 =	vmul.f32 $1.131370830e+01, v6  }
0xed: {  	v5 =	vld [tilespmem:s6+$0x100];
	[tilespmem:s6+$0x90] =	vst v2;
	v2 =	vmul.f32 $1.131370830e+01, v7  }
0xee: {  	v6 =	vld [tilespmem:s6+$0x110];
	[tilespmem:s6+$0xA0] =	vst v1;
	v1 =	vmul.f32 $1.131370830e+01, v8  }
0xef: {  	v7 =	vld [tilespmem:s6+$0x120];
	[tilespmem:s6+$0xB0] =	vst v2;
	v2 =	vmul.f32 $1.131370830e+01, v4  }
0xf0: {  	v4 =	vld [tilespmem:s6+$0x130];
	v0 =	vmul.f32 $1.131370830e+01, v0;
	[tilespmem:s6+$0xC0] =	vst v1  }
0xf1: {  	v3 =	vmul.f32 $1.131370830e+01, v3;
	v1 =	vld [tilespmem:s6+$0x140];
	[tilespmem:s6+$0xD0] =	vst v2  }
0xf2: {  	v2 =	vmul.f32 $1.131370830e+01, v5;
	v5 =	vld [tilespmem:s6+$0x150];
	[tilespmem:s6+$0xE0] =	vst v0  }
0xf3: {  	v0 =	vld [tilespmem:s6+$0x160];
	v6 =	vmul.f32 $1.131370830e+01, v6;
	[tilespmem:s6+$0xF0] =	vst v3  }
0xf4: {  	v3 =	vld [tilespmem:s6+$0x170];
	[tilespmem:s6+$0x100] =	vst v2;
	v2 =	vmul.f32 $1.131370830e+01, v7  }
0xf5: {  	[tilespmem:s6+$0x110] =	vst v6;
	v4 =	vmul.f32 $1.131370830e+01, v4;
	v6 =	vld [tilespmem:s6+$0x180]  }
0xf6: {  	v7 =	vld [tilespmem:s6+$0x190];
	[tilespmem:s6+$0x120] =	vst v2;
	v1 =	vmul.f32 $1.131370830e+01, v1  }
0xf7: {  	v8 =	vld [tilespmem:s6+$0x1A0];
	[tilespmem:s6+$0x130] =	vst v4;
	v2 =	vmul.f32 $1.131370830e+01, v5  }
0xf8: {  	v4 =	vld [tilespmem:s6+$0x1B0];
	[tilespmem:s6+$0x140] =	vst v1;
	v1 =	vmul.f32 $1.131370830e+01, v0  }
0xf9: {  	[tilespmem:s6+$0x150] =	vst v2;
	v2 =	vmul.f32 $1.131370830e+01, v3;
	v0 =	vld [tilespmem:s6+$0x1C0]  }
0xfa: {  	v6 =	vmul.f32 $1.131370830e+01, v6;
	[tilespmem:s6+$0x160] =	vst v1;
	v1 =	vld [tilespmem:s6+$0x1D0]  }
0xfb: {  	v5 =	vmul.f32 $1.131370830e+01, v7;
	[tilespmem:s6+$0x170] =	vst v2;
	v2 =	vld [tilespmem:s6+$0x1E0]  }
0xfc: {  	s7 =	simm.s32 $0x0;
	s8 =	simm.s32 $0xE700;
	v3 =	vld [tilespmem:s6+$0xFFFFFE00];
	[tilespmem:s6+$0x180] =	vst v6;
	v6 =	vmul.f32 $1.131370830e+01, v8  }
.LBB2_5:
0xfd: {  	v7 =	vld [tilespmem:s8+$0x1F0];
	s7 =	sadd.s32 $0x8, s7;
	[tilespmem:s6+$0x190] =	vst v5;
	v4 =	vmul.f32 $1.131370830e+01, v4  }
0xfe: {  	v5 =	vld [tilespmem:s8+$0xFFFFFE10];
	p0 =	slt.u32 s7, $0x188;
	[tilespmem:s6+$0x1A0] =	vst v6;
	v0 =	vmul.f32 $1.131370830e+01, v0  }
0xff: {  	v6 =	vld [tilespmem:s8+$0xFFFFFE20];
	[tilespmem:s6+$0x1B0] =	vst v4;
	v1 =	vmul.f32 $1.131370830e+01, v1  }
0x100: {  	v4 =	vld [tilespmem:s8+$0xFFFFFE30];
	[tilespmem:s6+$0x1C0] =	vst v0;
	v0 =	vmul.f32 $1.131370830e+01, v2  }
0x101: {  	v2 =	vld [tilespmem:s8+$0xFFFFFE40];
	v3 =	vmul.f32 $1.131370830e+01, v3;
	[tilespmem:s6+$0x1D0] =	vst v1  }
0x102: {  	v1 =	vld [tilespmem:s8+$0xFFFFFE50];
	v7 =	vmul.f32 $1.131370830e+01, v7;
	[tilespmem:s6+$0x1E0] =	vst v0  }
0x103: {  	v0 =	vmul.f32 $1.131370830e+01, v5;
	v5 =	vld [tilespmem:s8+$0xFFFFFE60];
	[tilespmem:s6+$0xFFFFFE00] =	vst v3;
	s6 =	smov.u32 s8  }
0x104: {  	v3 =	vmul.f32 $1.131370830e+01, v6;
	v6 =	vld [tilespmem:s8+$0xFFFFFE70];
	[tilespmem:s8+$0x1F0] =	vst v7  }
0x105: {  	[tilespmem:s8+$0xFFFFFE10] =	vst v0;
	v0 =	vmul.f32 $1.131370830e+01, v4;
	v4 =	vld [tilespmem:s8+$0xFFFFFE80]  }
0x106: {  	[tilespmem:s8+$0xFFFFFE20] =	vst v3;
	v2 =	vmul.f32 $1.131370830e+01, v2;
	v3 =	vld [tilespmem:s8+$0xFFFFFE90]  }
0x107: {  	[tilespmem:s8+$0xFFFFFE30] =	vst v0;
	v0 =	vmul.f32 $1.131370830e+01, v1;
	v1 =	vld [tilespmem:s8+$0xFFFFFEA0]  }
0x108: {  	[tilespmem:s8+$0xFFFFFE40] =	vst v2;
	v2 =	vmul.f32 $1.131370830e+01, v5;
	v5 =	vld [tilespmem:s8+$0xFFFFFEB0]  }
0x109: {  	[tilespmem:s8+$0xFFFFFE50] =	vst v0;
	v0 =	vmul.f32 $1.131370830e+01, v6;
	v6 =	vld [tilespmem:s8+$0xFFFFFEC0]  }
0x10a: {  	[tilespmem:s8+$0xFFFFFE60] =	vst v2;
	v2 =	vmul.f32 $1.131370830e+01, v4;
	v4 =	vld [tilespmem:s8+$0xFFFFFED0]  }
0x10b: {  	[tilespmem:s8+$0xFFFFFE70] =	vst v0;
	v0 =	vmul.f32 $1.131370830e+01, v3;
	v3 =	vld [tilespmem:s8+$0xFFFFFEE0]  }
0x10c: {  	[tilespmem:s8+$0xFFFFFE80] =	vst v2;
	v1 =	vmul.f32 $1.131370830e+01, v1;
	v2 =	vld [tilespmem:s8+$0xFFFFFEF0]  }
0x10d: {  	[tilespmem:s8+$0xFFFFFE90] =	vst v0;
	v0 =	vmul.f32 $1.131370830e+01, v5;
	v5 =	vld [tilespmem:s8+$0xFFFFFF00]  }
0x10e: {  	[tilespmem:s8+$0xFFFFFEA0] =	vst v1;
	v1 =	vmul.f32 $1.131370830e+01, v6;
	v6 =	vld [tilespmem:s8+$0xFFFFFF10]  }
0x10f: {  	[tilespmem:s8+$0xFFFFFEB0] =	vst v0;
	v0 =	vmul.f32 $1.131370830e+01, v4;
	v4 =	vld [tilespmem:s8+$0xFFFFFF20]  }
0x110: {  	[tilespmem:s8+$0xFFFFFEC0] =	vst v1;
	v1 =	vmul.f32 $1.131370830e+01, v3;
	v3 =	vld [tilespmem:s8+$0xFFFFFF30]  }
0x111: {  	[tilespmem:s8+$0xFFFFFED0] =	vst v0;
	v0 =	vmul.f32 $1.131370830e+01, v2;
	v2 =	vld [tilespmem:s8+$0xFFFFFF40]  }
0x112: {  	[tilespmem:s8+$0xFFFFFEE0] =	vst v1;
	v1 =	vmul.f32 $1.131370830e+01, v5;
	v5 =	vld [tilespmem:s8+$0xFFFFFF50]  }
0x113: {  	[tilespmem:s8+$0xFFFFFEF0] =	vst v0;
	v0 =	vmul.f32 $1.131370830e+01, v6;
	v6 =	vld [tilespmem:s8+$0xFFFFFF60]  }
0x114: {  	[tilespmem:s8+$0xFFFFFF00] =	vst v1;
	v1 =	vmul.f32 $1.131370830e+01, v4;
	v4 =	vld [tilespmem:s8+$0xFFFFFF70]  }
0x115: {  	[tilespmem:s8+$0xFFFFFF10] =	vst v0;
	v0 =	vmul.f32 $1.131370830e+01, v3;
	v3 =	vld [tilespmem:s8+$0xFFFFFF80]  }
0x116: {  	[tilespmem:s8+$0xFFFFFF20] =	vst v1;
	v1 =	vmul.f32 $1.131370830e+01, v2;
	v2 =	vld [tilespmem:s8+$0xFFFFFF90]  }
0x117: {  	[tilespmem:s8+$0xFFFFFF30] =	vst v0;
	v0 =	vmul.f32 $1.131370830e+01, v5;
	v5 =	vld [tilespmem:s8+$0xFFFFFFA0]  }
0x118: {  	[tilespmem:s8+$0xFFFFFF40] =	vst v1;
	v1 =	vmul.f32 $1.131370830e+01, v6;
	v6 =	vld [tilespmem:s8+$0xFFFFFFB0]  }
0x119: {  	[tilespmem:s8+$0xFFFFFF50] =	vst v0;
	v0 =	vmul.f32 $1.131370830e+01, v4;
	v4 =	vld [tilespmem:s8+$0xFFFFFFC0]  }
0x11a: {  	[tilespmem:s8+$0xFFFFFF60] =	vst v1;
	v1 =	vmul.f32 $1.131370830e+01, v3;
	v3 =	vld [tilespmem:s8+$0xFFFFFFD0]  }
0x11b: {  	[tilespmem:s8+$0xFFFFFF70] =	vst v0;
	v0 =	vmul.f32 $1.131370830e+01, v2;
	v2 =	vld [tilespmem:s8+$0xFFFFFFE0]  }
0x11c: {  	[tilespmem:s8+$0xFFFFFF80] =	vst v1;
	v1 =	vmul.f32 $1.131370830e+01, v5;
	v5 =	vld [tilespmem:s8+$0xFFFFFFF0]  }
0x11d: {  	[tilespmem:s8+$0xFFFFFF90] =	vst v0;
	v0 =	vmul.f32 $1.131370830e+01, v6;
	v6 =	vld [tilespmem:s8+$0x0]  }
0x11e: {  	[tilespmem:s8+$0xFFFFFFA0] =	vst v1;
	v1 =	vmul.f32 $1.131370830e+01, v4;
	v4 =	vld [tilespmem:s8+$0x10]  }
0x11f: {  	[tilespmem:s8+$0xFFFFFFB0] =	vst v0;
	v0 =	vmul.f32 $1.131370830e+01, v3;
	v3 =	vld [tilespmem:s8+$0x20]  }
0x120: {  	[tilespmem:s8+$0xFFFFFFC0] =	vst v1;
	v1 =	vmul.f32 $1.131370830e+01, v2;
	v2 =	vld [tilespmem:s8+$0x30]  }
0x121: {  	[tilespmem:s8+$0xFFFFFFD0] =	vst v0;
	v0 =	vmul.f32 $1.131370830e+01, v5;
	v5 =	vld [tilespmem:s8+$0x40]  }
0x122: {  	[tilespmem:s8+$0xFFFFFFE0] =	vst v1;
	v1 =	vmul.f32 $1.131370830e+01, v6;
	v6 =	vld [tilespmem:s8+$0x50]  }
0x123: {  	[tilespmem:s8+$0xFFFFFFF0] =	vst v0;
	v0 =	vmul.f32 $1.131370830e+01, v4;
	v4 =	vld [tilespmem:s8+$0x60]  }
0x124: {  	[tilespmem:s8+$0x0] =	vst v1;
	v1 =	vmul.f32 $1.131370830e+01, v3;
	v3 =	vld [tilespmem:s8+$0x70]  }
0x125: {  	[tilespmem:s8+$0x10] =	vst v0;
	v0 =	vmul.f32 $1.131370830e+01, v2;
	v2 =	vld [tilespmem:s8+$0x80]  }
0x126: {  	[tilespmem:s8+$0x20] =	vst v1;
	v1 =	vmul.f32 $1.131370830e+01, v5;
	v5 =	vld [tilespmem:s8+$0x90]  }
0x127: {  	[tilespmem:s8+$0x30] =	vst v0;
	v0 =	vmul.f32 $1.131370830e+01, v6;
	v6 =	vld [tilespmem:s8+$0xA0]  }
0x128: {  	[tilespmem:s8+$0x40] =	vst v1;
	v1 =	vmul.f32 $1.131370830e+01, v4;
	v4 =	vld [tilespmem:s8+$0xB0]  }
0x129: {  	[tilespmem:s8+$0x50] =	vst v0;
	v0 =	vmul.f32 $1.131370830e+01, v3;
	v3 =	vld [tilespmem:s8+$0xC0]  }
0x12a: {  	[tilespmem:s8+$0x60] =	vst v1;
	v1 =	vmul.f32 $1.131370830e+01, v2;
	v2 =	vld [tilespmem:s8+$0xD0]  }
0x12b: {  	[tilespmem:s8+$0x70] =	vst v0;
	v0 =	vmul.f32 $1.131370830e+01, v5;
	v5 =	vld [tilespmem:s8+$0xE0]  }
0x12c: {  	[tilespmem:s8+$0x80] =	vst v1;
	v1 =	vmul.f32 $1.131370830e+01, v6;
	v6 =	vld [tilespmem:s8+$0xF0]  }
0x12d: {  	[tilespmem:s8+$0x90] =	vst v0;
	v0 =	vmul.f32 $1.131370830e+01, v4;
	v4 =	vld [tilespmem:s8+$0x100]  }
0x12e: {  	[tilespmem:s8+$0xA0] =	vst v1;
	v1 =	vmul.f32 $1.131370830e+01, v3;
	v3 =	vld [tilespmem:s8+$0x110]  }
0x12f: {  	[tilespmem:s8+$0xB0] =	vst v0;
	v0 =	vmul.f32 $1.131370830e+01, v2;
	v2 =	vld [tilespmem:s8+$0x120]  }
0x130: {  	[tilespmem:s8+$0xC0] =	vst v1;
	v1 =	vmul.f32 $1.131370830e+01, v5;
	v5 =	vld [tilespmem:s8+$0x130]  }
0x131: {  	[tilespmem:s8+$0xD0] =	vst v0;
	v0 =	vmul.f32 $1.131370830e+01, v6;
	v6 =	vld [tilespmem:s8+$0x140]  }
0x132: {  	[tilespmem:s8+$0xE0] =	vst v1;
	v1 =	vmul.f32 $1.131370830e+01, v4;
	v4 =	vld [tilespmem:s8+$0x150]  }
0x133: {  	[tilespmem:s8+$0xF0] =	vst v0;
	v0 =	vmul.f32 $1.131370830e+01, v3;
	v3 =	vld [tilespmem:s8+$0x160]  }
0x134: {  	[tilespmem:s8+$0x100] =	vst v1;
	v1 =	vmul.f32 $1.131370830e+01, v2;
	v2 =	vld [tilespmem:s8+$0x170]  }
0x135: {  	[tilespmem:s8+$0x110] =	vst v0;
	v0 =	vmul.f32 $1.131370830e+01, v5;
	v5 =	vld [tilespmem:s8+$0x180]  }
0x136: {  	[tilespmem:s8+$0x120] =	vst v1;
	v1 =	vmul.f32 $1.131370830e+01, v6;
	v6 =	vld [tilespmem:s8+$0x190]  }
0x137: {  	[tilespmem:s8+$0x130] =	vst v0;
	v0 =	vmul.f32 $1.131370830e+01, v4;
	v7 =	vld [tilespmem:s8+$0x1A0]  }
.Ltmp1:
0x138: {  	[tilespmem:s8+$0x140] =	vst v1;
	v1 =	vmul.f32 $1.131370830e+01, v3;
	v4 =	vld [tilespmem:s8+$0x1B0];
	(pc) =	sbr.rel @p0 .LBB2_5-.Ltmp1, $4  }
0x139: {  	[tilespmem:s8+$0x150] =	vst v0;
	v2 =	vmul.f32 $1.131370830e+01, v2;
	v0 =	vld [tilespmem:s8+$0x1C0]  }
0x13a: {  	[tilespmem:s8+$0x160] =	vst v1;
	v8 =	vmul.f32 $1.131370830e+01, v5;
	v1 =	vld [tilespmem:s8+$0x1D0]  }
0x13b: {  	[tilespmem:s8+$0x170] =	vst v2;
	v5 =	vmul.f32 $1.131370830e+01, v6;
	v2 =	vld [tilespmem:s8+$0x1E0]  }
0x13c: {  	s8 =	sadd.s32 $0x400, s8;
	v3 =	vld [tilespmem:s6+$0xFFFFFE00];
	[tilespmem:s6+$0x180] =	vst v8;
	v6 =	vmul.f32 $1.131370830e+01, v7  }
0x13d: {  	s0 =	sadd.s32 s4, s0  }
0x13e: {  	[tilespmem:s6+$0x190] =	vst v5;
	v4 =	vmul.f32 $1.131370830e+01, v4;
	s0 =	smulhi.u32 $0x51EB851F, s0  }
0x13f: {  	[tilespmem:s6+$0x1A0] =	vst v6;
	v0 =	vmul.f32 $1.131370830e+01, v0  }
0x140: {  	[tilespmem:s6+$0x1B0] =	vst v4;
	v1 =	vmul.f32 $1.131370830e+01, v1;
	s0 =	sshrl.u32 s0, $0x4  }
0x141: {  	[tilespmem:s6+$0x1C0] =	vst v0;
	v62 =	vmul.f32 $1.131370830e+01, v2;
	s7 =	smul.u32 $0x380, s0  }
0x142: {  	v63 =	vmul.f32 $1.131370830e+01, v3;
	[tilespmem:s6+$0x1D0] =	vst v1;
	s0 =	smul.u32 $0x1C00, s0  }
0x143: {  	[tilespmem:s6+$0x1E0] =	vst v62  }
0x144: {  	[tilespmem:s6+$0xFFFFFE00] =	vst v63;
	s30 =	sadd.s32 s5, s7;
	s0 =	sshrl.u32 s0, $0x3  }
0x145: {  	[hbm4b:s30+s3] =	stream.linear.scatter [tilespmem:s12], [sflag:$0x4], $0x1900, $0x38;
	[tilespmem:$0x1A900] =	vst v63  }
0x146: {  	s0 =	sadd.s32 s5, s0  }
0x147: {  	s7 =	sadd.s32 $0x380, s0  }
0x148: {  	[hbm4b:s7+s3] =	stream.linear.scatter [tilespmem:s22], [sflag:$0x4], $0x1900, $0x38;
	[tilespmem:$0x1A900] =	vst v63  }
0x149: {  	s8 =	sadd.s32 $0x700, s0  }
0x14a: {  	[hbm4b:s8+s3] =	stream.linear.scatter [tilespmem:s23], [sflag:$0x4], $0x1900, $0x38;
	[tilespmem:$0x1A900] =	vst v63  }
0x14b: {  	s30 =	sadd.s32 $0xA80, s0  }
0x14c: {  	[hbm4b:s30+s3] =	stream.linear.scatter [tilespmem:s24], [sflag:$0x4], $0x1900, $0x38;
	[tilespmem:$0x1A900] =	vst v63  }
0x14d: {  	s2 =	sadd.s32 $0x1, s2;
	s7 =	sadd.s32 $0xE00, s0  }
0x14e: {  	[hbm4b:s7+s3] =	stream.linear.scatter [tilespmem:s25], [sflag:$0x4], $0x1900, $0x38;
	[tilespmem:$0x1A900] =	vst v63  }
0x14f: {  	p0 =	sne.s32 s2, $0x8;
	s8 =	sadd.s32 $0x1180, s0  }
0x150: {  	[hbm4b:s8+s3] =	stream.linear.scatter [tilespmem:s26], [sflag:$0x4], $0x1900, $0x38;
	[tilespmem:$0x1A900] =	vst v63  }
.Ltmp2:
0x151: {  	_ = 	snop;
	(pc) =	sbr.rel @p0 .LBB2_2-.Ltmp2, $4  }
0x152: {  	s30 =	sadd.s32 $0x1500, s0  }
0x153: {  	[hbm4b:s30+s3] =	stream.linear.scatter [tilespmem:s28], [sflag:$0x4], $0x1900, $0x38;
	[tilespmem:$0x1A900] =	vst v63  }
0x154: {  	s0 =	sadd.s32 $0x1880, s0  }
0x155: {  	[hbm4b:s0+s3] =	stream.linear.scatter [tilespmem:s29], [sflag:$0x4], $0x1900, $0x38;
	[tilespmem:$0x1A900] =	vst v63  }
0x156: {  	s2 =	simm.s32 $0x4  }
0x157: {  	_ =	swait.ge [sflag:s2], $0xC800  }
0x158: {  	s31 =	sadd.s32 $0x1, s31;
	s0 =	rddreg [dreg:$0x5]  }
0x159: {  	p0 =	sne.s32 s31, s0  }
.Ltmp3:
0x15a: {  	_ = 	snop;
	(pc) =	sbr.rel @p0 .LBB2_1-.Ltmp3, $3  }
0x15b: {  	_ =	sdelay $0x1  }
0x15c: {  	[sflag:s2] =	ssyncset.done $0x0  }
0x15d: {  	[sflag:s2] =	ssyncadd.s32 $0xFFFF3800  }
0x15e: {  	_ =	sfence.sel $0x180000  }
0x15f: {  	[bflag:$0x0] =	sbarrier.arrive $0xFFFF  }
0x160: {  	_ =	strace $0x90000047  }
0x161: {  	s0 =	stileid.u32;
	[bflag:$0x2] =	sbarrier.arrive $0xFFFF  }
0x162: {  	p0 =	sne.s32 s0, $0x0;
	s0 =	rddreg [dreg:$0x3]  }
0x163: {  	s0 =	sadd.s32 @!p0 $0x100000, s0  }
0x164: {  	[sflag:s0] =	ssyncadd.tile.s32 @!p0 $0x1;
	_ =	shalt  }
.Lfunc_end2:
_tile_overlayer_lowered:
.L_overlay_start_2:
0x165: {  	(tag) =	ssettag $0x2  }
0x166: {  	s0 =	rddreg [dreg:$0x0];
	s2 =	stileid.u32  }
0x167: {  	s1 =	rddreg [dreg:$0x1];
	p0 =	sne.s32 s2, $0x0  }
0x168: {  	s3 =	rddreg [dreg:$0x2];
	[bflag:$0x3] =	sbarrier.arrive $0xFFFF;
	s2 =	simm.s32 @!p0 $0x1C05  }
0x169: {  	[timem:s3], [sflag:s2] =	dma.local @!p0 [hbm:s0], s1  }
0x16a: {  	s0 =	simm.s32 @!p0 $0x5  }
0x16b: {  	_ =	swait.ge @!p0 [sflag:s0], s1  }
0x16c: {  	s1 =	ssub.s32 @!p0 $0x0, s1;
	[sflag:s0] =	ssyncset.done @!p0 $0x0  }
0x16d: {  	[sflag:s0] =	ssyncadd.s32 @!p0 s1  }
0x16e: {  	[bflag:$0x3] =	sbarrier.arrive $0xFFFF  }
0x16f: {  	_ =	shalt  }

</sc_bundles>
